<compile_context>
chip_gen: v7x
topology: tpu7x:2x2x1
jax: 0.10.2.dev20260603
libtpu: 0.0.44.dev20260713+nightly
codegen_flags: <defaults>
</compile_context>

<pallas_src>
import functools

import jax
import jax.numpy as jnp
from jax import lax
from jax.experimental import pallas as pl
from jax.experimental.pallas import tpu as pltpu
from jax.experimental.pallas import tpu_sc as plsc

N = 10000
IN_CH = 128
HID = 8
HEADS = 8
F1 = HEADS * HID
OUT_CH = 32

NC, NS = 2, 16
NTILES = NC * NS
CHUNK = 128
NPAD = 10240
DUMMY = N
ROWS_PER_SUB = NPAD // NS

_EPS = 1e-16


def _ceil_to(a, b):
    return (a + b - 1) // b * b



def _make_sc_pass(epad, feat):
    edges_per_tile = epad // NTILES
    steps = edges_per_tile // CHUNK
    nvec = feat // 16
    w = 2 * feat
    mesh = plsc.VectorSubcoreMesh(core_axis_name="c", subcore_axis_name="s")

    @functools.partial(
        pl.kernel,
        out_type=jax.ShapeDtypeStruct((NC, NPAD, w), jnp.float32),
        mesh=mesh,
        compiler_params=pltpu.CompilerParams(use_tc_tiling_on_sc=False),
        scratch_types=[
            pltpu.VMEM((CHUNK,), jnp.int32),
            pltpu.VMEM((CHUNK,), jnp.int32),
            pltpu.VMEM((CHUNK, w), jnp.float32),
            pltpu.VMEM((CHUNK, feat), jnp.float32),
            pltpu.VMEM((CHUNK, w), jnp.float32),
            pltpu.VMEM_SHARED((NPAD, w), jnp.float32),
        ],
    )
    def sc_pass(src_hbm, dst_hbm, srct_hbm, adx_hbm, zeros_hbm, out_hbm,
                isrc, idst, srcrows, adxrows, contrib, acc):
        cid = lax.axis_index("c")
        sid = lax.axis_index("s")
        wid = cid * NS + sid

        pltpu.sync_copy(zeros_hbm.at[pl.ds(sid * ROWS_PER_SUB, ROWS_PER_SUB)],
                        acc.at[pl.ds(sid * ROWS_PER_SUB, ROWS_PER_SUB)])
        plsc.subcore_barrier()

        base0 = wid * edges_per_tile

        @pl.loop(0, steps)
        def _(i):
            base = base0 + i * CHUNK
            pltpu.sync_copy(src_hbm.at[pl.ds(base, CHUNK)], isrc)
            pltpu.sync_copy(dst_hbm.at[pl.ds(base, CHUNK)], idst)
            pltpu.sync_copy(srct_hbm.at[isrc], srcrows)
            pltpu.sync_copy(adx_hbm.at[idst], adxrows)

            @pl.loop(0, CHUNK)
            def _(e):
                for v in range(nvec):
                    sl = pl.ds(16 * v, 16)
                    sh = pl.ds(feat + 16 * v, 16)
                    a = srcrows[e, sh] + adxrows[e, sl]
                    ev = jnp.exp(jnp.maximum(a, 0.2 * a))
                    contrib[e, sl] = srcrows[e, sl] * ev
                    contrib[e, sh] = ev

            pltpu.sync_copy(contrib, acc.at[idst], add=True)

        plsc.subcore_barrier()
        pltpu.sync_copy(acc.at[pl.ds(sid * ROWS_PER_SUB, ROWS_PER_SUB)],
                        out_hbm.at[cid, pl.ds(sid * ROWS_PER_SUB, ROWS_PER_SUB)])

    return sc_pass



_BLK = 256
_HI = lax.Precision.HIGHEST


def _dot(a, b):
    return jnp.dot(a, b, precision=_HI, preferred_element_type=jnp.float32)


def _tc1(xp, W1, AexpS, AexpD):
    def body(x_ref, w_ref, s_ref, d_ref, t_ref, adx_ref):
        h = _dot(x_ref[...], w_ref[...])
        t_ref[:, :F1] = h
        t_ref[:, F1:] = _dot(h, s_ref[...])
        adx_ref[...] = _dot(h, d_ref[...])

    grid = (NPAD // _BLK,)
    return pl.pallas_call(
        body,
        grid=grid,
        in_specs=[
            pl.BlockSpec((_BLK, IN_CH), lambda i: (i, 0)),
            pl.BlockSpec((IN_CH, F1), lambda i: (0, 0)),
            pl.BlockSpec((F1, F1), lambda i: (0, 0)),
            pl.BlockSpec((F1, F1), lambda i: (0, 0)),
        ],
        out_specs=[
            pl.BlockSpec((_BLK, 2 * F1), lambda i: (i, 0)),
            pl.BlockSpec((_BLK, F1), lambda i: (i, 0)),
        ],
        out_shape=[
            jax.ShapeDtypeStruct((NPAD, 2 * F1), jnp.float32),
            jax.ShapeDtypeStruct((NPAD, F1), jnp.float32),
        ],
    )(xp, W1, AexpS, AexpD)


def _tc2(acc1, b1, W2, att_src2_t, att_dst2_t):
    def body(a_ref, b_ref, w_ref, s_ref, d_ref, t_ref, adx_ref):
        s = a_ref[0] + a_ref[1]
        msg = s[:, :F1]
        den = s[:, F1:]
        h1o = jnp.maximum(msg / (den + _EPS) + b_ref[...], 0.0)
        h2 = _dot(h1o, w_ref[...])
        a_s = _dot(h2, s_ref[...])
        a_d = _dot(h2, d_ref[...])
        t_ref[:, :OUT_CH] = h2
        t_ref[:, OUT_CH:] = jnp.broadcast_to(a_s, (_BLK, OUT_CH))
        adx_ref[...] = jnp.broadcast_to(a_d, (_BLK, OUT_CH))

    grid = (NPAD // _BLK,)
    return pl.pallas_call(
        body,
        grid=grid,
        in_specs=[
            pl.BlockSpec((NC, _BLK, 2 * F1), lambda i: (0, i, 0)),
            pl.BlockSpec((1, F1), lambda i: (0, 0)),
            pl.BlockSpec((F1, OUT_CH), lambda i: (0, 0)),
            pl.BlockSpec((OUT_CH, 1), lambda i: (0, 0)),
            pl.BlockSpec((OUT_CH, 1), lambda i: (0, 0)),
        ],
        out_specs=[
            pl.BlockSpec((_BLK, 2 * OUT_CH), lambda i: (i, 0)),
            pl.BlockSpec((_BLK, OUT_CH), lambda i: (i, 0)),
        ],
        out_shape=[
            jax.ShapeDtypeStruct((NPAD, 2 * OUT_CH), jnp.float32),
            jax.ShapeDtypeStruct((NPAD, OUT_CH), jnp.float32),
        ],
    )(acc1, b1, W2, att_src2_t, att_dst2_t)


def _tc3(acc2, b2):
    def body(a_ref, b_ref, o_ref):
        s = a_ref[0] + a_ref[1]
        msg = s[:, :OUT_CH]
        den = s[:, OUT_CH:]
        logits = msg / (den + _EPS) + b_ref[...]
        m = jnp.max(logits, axis=1, keepdims=True)
        lse = jnp.log(jnp.sum(jnp.exp(logits - m), axis=1, keepdims=True)) + m
        o_ref[...] = logits - lse

    grid = (NPAD // _BLK,)
    return pl.pallas_call(
        body,
        grid=grid,
        in_specs=[
            pl.BlockSpec((NC, _BLK, 2 * OUT_CH), lambda i: (0, i, 0)),
            pl.BlockSpec((1, OUT_CH), lambda i: (0, 0)),
        ],
        out_specs=pl.BlockSpec((_BLK, OUT_CH), lambda i: (i, 0)),
        out_shape=jax.ShapeDtypeStruct((NPAD, OUT_CH), jnp.float32),
    )(acc2, b2)



def kernel(x, edge_index, W1, att_src1, att_dst1, b1, W2, att_src2, att_dst2, b2):
    e_raw = edge_index.shape[1]
    etot = e_raw + N
    epad = _ceil_to(etot, NTILES * CHUNK)

    loop_idx = jnp.arange(N, dtype=jnp.int32)
    padv = jnp.full((epad - etot,), DUMMY, dtype=jnp.int32)
    src = jnp.concatenate([edge_index[0].astype(jnp.int32), loop_idx, padv])
    dst = jnp.concatenate([edge_index[1].astype(jnp.int32), loop_idx, padv])

    eye = jnp.eye(HEADS, dtype=jnp.float32)
    AexpS = (eye[:, None, :, None] * att_src1[:, :, None, None]
             * jnp.ones((1, 1, 1, HID), jnp.float32)).reshape(F1, F1)
    AexpD = (eye[:, None, :, None] * att_dst1[:, :, None, None]
             * jnp.ones((1, 1, 1, HID), jnp.float32)).reshape(F1, F1)

    xp = jnp.zeros((NPAD, IN_CH), jnp.float32).at[:N].set(x)

    srct1, adx1 = _tc1(xp, W1, AexpS, AexpD)

    sc1 = _make_sc_pass(epad, F1)
    acc1 = sc1(src, dst, srct1, adx1, jnp.zeros((NPAD, 2 * F1), jnp.float32))

    srct2, adx2 = _tc2(acc1, b1.reshape(1, F1), W2,
                       att_src2.reshape(OUT_CH, 1), att_dst2.reshape(OUT_CH, 1))

    sc2 = _make_sc_pass(epad, OUT_CH)
    acc2 = sc2(src, dst, srct2, adx2,
               jnp.zeros((NPAD, 2 * OUT_CH), jnp.float32))

    out = _tc3(acc2, b2.reshape(1, OUT_CH))
    return out[:N]

# --- scband reference (transcript-rebuilt; emitter-appended) ---
"""Pipeline reference for scband-gat-39195871543848 (READ-ONLY COPY).

The authoritative reference and input builder live on the scoring server;
editing this copy changes nothing except your own understanding.
"""

import jax, jax.numpy as jnp
import numpy as np

N = 10000
E = 320000
IN_CH = 128
HID = 8
HEADS = 8
OUT_CH = 32


def setup_inputs(seed: int = 0) -> dict:
    key = jax.random.key(seed)
    ks = jax.random.split(key, 10)
    x = jax.random.normal(ks[0], (N, IN_CH), dtype=jnp.float32)
    edge_index = jax.random.randint(ks[1], (2, E), 0, N, dtype=jnp.int32)
    W1 = jax.random.normal(ks[2], (IN_CH, HEADS * HID), dtype=jnp.float32) * 0.1
    att_src1 = jax.random.normal(ks[3], (HEADS, HID), dtype=jnp.float32) * 0.1
    att_dst1 = jax.random.normal(ks[4], (HEADS, HID), dtype=jnp.float32) * 0.1
    b1 = jnp.zeros((HEADS * HID,), dtype=jnp.float32)
    W2 = jax.random.normal(ks[5], (HEADS * HID, OUT_CH), dtype=jnp.float32) * 0.1
    att_src2 = jax.random.normal(ks[6], (1, OUT_CH), dtype=jnp.float32) * 0.1
    att_dst2 = jax.random.normal(ks[7], (1, OUT_CH), dtype=jnp.float32) * 0.1
    b2 = jnp.zeros((OUT_CH,), dtype=jnp.float32)
    return {"x": x, "edge_index": edge_index, "W1": W1, "att_src1": att_src1,
            "att_dst1": att_dst1, "b1": b1, "W2": W2, "att_src2": att_src2,
            "att_dst2": att_dst2, "b2": b2}


def _gat_conv(x, src, dst, W, att_src, att_dst, bias, heads, ch, n):
    # Linear transform, reshape into heads: [n, heads, ch]
    h = (x @ W).reshape(n, heads, ch)
    # Per-node attention logits (PyG GATConv): alpha_i = <h_i, att>
    a_src = jnp.sum(h * att_src[None, :, :], axis=-1)  # [n, heads]
    a_dst = jnp.sum(h * att_dst[None, :, :], axis=-1)  # [n, heads]
    # Per-edge logits: gather from src and dst nodes
    alpha = a_src[src] + a_dst[dst]  # [e, heads]
    alpha = jax.nn.leaky_relu(alpha, negative_slope=0.2)
    # Softmax over incoming edges per destination node (segment softmax)
    amax = jax.ops.segment_max(alpha, dst, num_segments=n)
    alpha = jnp.exp(alpha - amax[dst])
    denom = jax.ops.segment_sum(alpha, dst, num_segments=n)
    alpha = alpha / (denom[dst] + 1e-16)
    # Weighted message aggregation: scatter-add over dst
    msg = h[src] * alpha[:, :, None]  # [e, heads, ch]
    out = jax.ops.segment_sum(msg, dst, num_segments=n)  # [n, heads, ch]
    return out.reshape(n, heads * ch) + bias


def reference(x, edge_index, W1, att_src1, att_dst1, b1, W2, att_src2, att_dst2, b2):
    # PyG GATConv adds self loops by default
    loop = jnp.arange(N, dtype=edge_index.dtype)
    src = jnp.concatenate([edge_index[0], loop])
    dst = jnp.concatenate([edge_index[1], loop])
    # dropout is identity in eval mode
    h = _gat_conv(x, src, dst, W1, att_src1, att_dst1, b1, HEADS, HID, N)
    h = jax.nn.relu(h)
    out = _gat_conv(h, src, dst, W2, att_src2, att_dst2, b2, 1, OUT_CH, N)
    return jax.nn.log_softmax(out, axis=1)

if __name__ == "__main__":
    import jax
    _d = setup_inputs()
    print(jax.jit(kernel)(*tuple(_d.values())))

</pallas_src>

<mosaic_0001>
#map = affine_map<(d0, d1) -> (0)>
#map1 = affine_map<(d0, d1) -> (0, 0)>
#map2 = affine_map<(d0, d1) -> (0, 0, 0)>
module attributes {stable_mosaic.version = 14 : i64} {
  func.func @sc_pass(%arg0: i32, %arg1: i32, %arg2: memref<331776xi32, #tpu.memory_space<hbm>>, %arg3: memref<331776xi32, #tpu.memory_space<hbm>>, %arg4: memref<10240x64xf32, #tpu.memory_space<hbm>>, %arg5: memref<10240x32xf32, #tpu.memory_space<hbm>>, %arg6: memref<10240x64xf32, #tpu.memory_space<hbm>>, %arg7: memref<2x10240x64xf32, #tpu.memory_space<hbm>>, %arg8: memref<128xi32, #tpu.memory_space<vmem>>, %arg9: memref<128xi32, #tpu.memory_space<vmem>>, %arg10: memref<128x64xf32, #tpu.memory_space<vmem>>, %arg11: memref<128x32xf32, #tpu.memory_space<vmem>>, %arg12: memref<128x64xf32, #tpu.memory_space<vmem>>, %arg13: memref<10240x64xf32, #tpu.memory_space<vmem_shared>>) attributes {dimension_semantics = [#tpu.dimension_semantics<core_parallel>, #tpu.dimension_semantics<subcore_parallel>], iteration_bounds = array<i64: 2, 16>, scalar_prefetch = 0 : i64, scratch_operands = 6 : i64, tpu.core_type = #tpu.core_type<sc_vector_subcore>, window_params = [{transform_indices = #map}, {transform_indices = #map}, {transform_indices = #map1}, {transform_indices = #map1}, {transform_indices = #map1}, {transform_indices = #map2}]} {
    %mul3A = arith.constant 16 : i32
    %mul3A_0 = arith.muli %arg0, %mul3A : i32
    %add3A = arith.addi %mul3A_0, %arg1 : i32
    %mul3A_1 = arith.constant 640 : i32
    %mul3A_2 = arith.muli %arg1, %mul3A_1 : i32
    %mul3A_3 = arith.constant 640 : i32
    %mul3A_4 = arith.muli %arg1, %mul3A_3 : i32
    "tpu.region"() ({
      %run_scoped3A = tpu.sem_alloc : memref<!tpu.dma_semaphore, #tpu.memory_space<semaphore_mem>>
      %dma_start3A = arith.constant 0 : i32
      %dma_start3A_16 = tpu.memref_slice %arg13[%mul3A_4, %dma_start3A] : memref<10240x64xf32, #tpu.memory_space<vmem_shared>> -> memref<640x64xf32, #tpu.memory_space<vmem_shared>>
      %dma_start3A_17 = arith.constant 0 : i32
      %dma_start3A_18 = tpu.memref_slice %arg6[%mul3A_2, %dma_start3A_17] : memref<10240x64xf32, #tpu.memory_space<hbm>> -> memref<640x64xf32, #tpu.memory_space<hbm>>
      tpu.enqueue_dma source(%dma_start3A_18 : memref<640x64xf32, #tpu.memory_space<hbm>>) target(%dma_start3A_16 : memref<640x64xf32, #tpu.memory_space<vmem_shared>>) target_semaphore(%run_scoped3A : memref<!tpu.dma_semaphore, #tpu.memory_space<semaphore_mem>>)
      %dma_wait3A = arith.constant 0 : i32
      %dma_wait3A_19 = tpu.memref_slice %arg13[%mul3A_4, %dma_wait3A] : memref<10240x64xf32, #tpu.memory_space<vmem_shared>> -> memref<640x64xf32, #tpu.memory_space<vmem_shared>>
      %dma_wait3A_20 = arith.constant 0 : i32
      %dma_wait3A_21 = tpu.memref_slice %arg6[%mul3A_2, %dma_wait3A_20] : memref<10240x64xf32, #tpu.memory_space<hbm>> -> memref<640x64xf32, #tpu.memory_space<hbm>>
      tpu.wait_dma2 semaphore(%run_scoped3A : memref<!tpu.dma_semaphore, #tpu.memory_space<semaphore_mem>>) src(%dma_wait3A_21 : memref<640x64xf32, #tpu.memory_space<hbm>>) dst(%dma_wait3A_19 : memref<640x64xf32, #tpu.memory_space<vmem_shared>>)
      tpu.yield
    }) : () -> ()
    %barrier3A = arith.constant 0 : index
    tpu.barrier barrier_id(%barrier3A)
    %mul3A_5 = arith.constant 10368 : i32
    %mul3A_6 = arith.muli %add3A, %mul3A_5 : i32
    %scan3A = arith.constant 0 : i32
    %scan3A_7 = arith.constant 81 : i32
    %scan3A_8 = arith.addi %scan3A, %scan3A_7 : i32
    %scan3A_9 = arith.constant 1 : i32
    scf.for %scan3A_16 = %scan3A to %scan3A_8 step %scan3A_9  : i32 {
      %mul3A_17 = arith.constant 1 : i32
      %mul3A_18 = arith.muli %scan3A_16, %mul3A_17 : i32
      %add3A_19 = arith.constant 0 : i32
      %add3A_20 = arith.addi %add3A_19, %mul3A_18 : i32
      %mul3A_21 = arith.constant 128 : i32
      %mul3A_22 = arith.muli %add3A_20, %mul3A_21 : i32
      %add3A_23 = arith.addi %mul3A_6, %mul3A_22 : i32
      "tpu.region"() ({
        %run_scoped3A = tpu.sem_alloc : memref<!tpu.dma_semaphore, #tpu.memory_space<semaphore_mem>>
        %dma_start3A = tpu.memref_slice %arg2[%add3A_23] : memref<331776xi32, #tpu.memory_space<hbm>> -> memref<128xi32, #tpu.memory_space<hbm>>
        %dma_start3A_29 = tpu.memref_slice %arg2[%add3A_23] : memref<331776xi32, #tpu.memory_space<hbm>> -> memref<128xi32, #tpu.memory_space<hbm>>
        tpu.enqueue_dma source(%dma_start3A_29 : memref<128xi32, #tpu.memory_space<hbm>>) target(%arg8 : memref<128xi32, #tpu.memory_space<vmem>>) target_semaphore(%run_scoped3A : memref<!tpu.dma_semaphore, #tpu.memory_space<semaphore_mem>>)
        %dma_wait3A = tpu.memref_slice %arg2[%add3A_23] : memref<331776xi32, #tpu.memory_space<hbm>> -> memref<128xi32, #tpu.memory_space<hbm>>
        %dma_wait3A_30 = tpu.memref_slice %arg2[%add3A_23] : memref<331776xi32, #tpu.memory_space<hbm>> -> memref<128xi32, #tpu.memory_space<hbm>>
        tpu.wait_dma2 semaphore(%run_scoped3A : memref<!tpu.dma_semaphore, #tpu.memory_space<semaphore_mem>>) src(%dma_wait3A_30 : memref<128xi32, #tpu.memory_space<hbm>>) dst(%arg8 : memref<128xi32, #tpu.memory_space<vmem>>)
        tpu.yield
      }) : () -> ()
      "tpu.region"() ({
        %run_scoped3A = tpu.sem_alloc : memref<!tpu.dma_semaphore, #tpu.memory_space<semaphore_mem>>
        %dma_start3A = tpu.memref_slice %arg3[%add3A_23] : memref<331776xi32, #tpu.memory_space<hbm>> -> memref<128xi32, #tpu.memory_space<hbm>>
        %dma_start3A_29 = tpu.memref_slice %arg3[%add3A_23] : memref<331776xi32, #tpu.memory_space<hbm>> -> memref<128xi32, #tpu.memory_space<hbm>>
        tpu.enqueue_dma source(%dma_start3A_29 : memref<128xi32, #tpu.memory_space<hbm>>) target(%arg9 : memref<128xi32, #tpu.memory_space<vmem>>) target_semaphore(%run_scoped3A : memref<!tpu.dma_semaphore, #tpu.memory_space<semaphore_mem>>)
        %dma_wait3A = tpu.memref_slice %arg3[%add3A_23] : memref<331776xi32, #tpu.memory_space<hbm>> -> memref<128xi32, #tpu.memory_space<hbm>>
        %dma_wait3A_30 = tpu.memref_slice %arg3[%add3A_23] : memref<331776xi32, #tpu.memory_space<hbm>> -> memref<128xi32, #tpu.memory_space<hbm>>
        tpu.wait_dma2 semaphore(%run_scoped3A : memref<!tpu.dma_semaphore, #tpu.memory_space<semaphore_mem>>) src(%dma_wait3A_30 : memref<128xi32, #tpu.memory_space<hbm>>) dst(%arg9 : memref<128xi32, #tpu.memory_space<vmem>>)
        tpu.yield
      }) : () -> ()
      "tpu.region"() ({
        %run_scoped3A = tpu.sem_alloc : memref<!tpu.dma_semaphore, #tpu.memory_space<semaphore_mem>>
        %dma_start3A = arith.constant 0 : i32
        %dma_start3A_29 = arith.constant 0 : i32
        %dma_start3A_30 = tpu.memref_slice %arg4[%dma_start3A, %dma_start3A_29] : memref<10240x64xf32, #tpu.memory_space<hbm>> -> memref<10240x64xf32, #tpu.memory_space<hbm>>
        tpu.enqueue_indirect_dma source(%dma_start3A_30 : memref<10240x64xf32, #tpu.memory_space<hbm>>) target(%arg10 : memref<128x64xf32, #tpu.memory_space<vmem>>) offsets(%arg8 : memref<128xi32, #tpu.memory_space<vmem>>) semaphore(%run_scoped3A : memref<!tpu.dma_semaphore, #tpu.memory_space<semaphore_mem>>)
        %dma_wait3A = arith.constant 0 : i32
        %dma_wait3A_31 = arith.constant 0 : i32
        %dma_wait3A_32 = tpu.memref_slice %arg4[%dma_wait3A, %dma_wait3A_31] : memref<10240x64xf32, #tpu.memory_space<hbm>> -> memref<10240x64xf32, #tpu.memory_space<hbm>>
        tpu.wait_indirect_dma semaphore(%run_scoped3A : memref<!tpu.dma_semaphore, #tpu.memory_space<semaphore_mem>>) src(%dma_wait3A_32 : memref<10240x64xf32, #tpu.memory_space<hbm>>) dst(%arg10 : memref<128x64xf32, #tpu.memory_space<vmem>>)
        tpu.yield
      }) : () -> ()
      "tpu.region"() ({
        %run_scoped3A = tpu.sem_alloc : memref<!tpu.dma_semaphore, #tpu.memory_space<semaphore_mem>>
        %dma_start3A = arith.constant 0 : i32
        %dma_start3A_29 = arith.constant 0 : i32
        %dma_start3A_30 = tpu.memref_slice %arg5[%dma_start3A, %dma_start3A_29] : memref<10240x32xf32, #tpu.memory_space<hbm>> -> memref<10240x32xf32, #tpu.memory_space<hbm>>
        tpu.enqueue_indirect_dma source(%dma_start3A_30 : memref<10240x32xf32, #tpu.memory_space<hbm>>) target(%arg11 : memref<128x32xf32, #tpu.memory_space<vmem>>) offsets(%arg9 : memref<128xi32, #tpu.memory_space<vmem>>) semaphore(%run_scoped3A : memref<!tpu.dma_semaphore, #tpu.memory_space<semaphore_mem>>)
        %dma_wait3A = arith.constant 0 : i32
        %dma_wait3A_31 = arith.constant 0 : i32
        %dma_wait3A_32 = tpu.memref_slice %arg5[%dma_wait3A, %dma_wait3A_31] : memref<10240x32xf32, #tpu.memory_space<hbm>> -> memref<10240x32xf32, #tpu.memory_space<hbm>>
        tpu.wait_indirect_dma semaphore(%run_scoped3A : memref<!tpu.dma_semaphore, #tpu.memory_space<semaphore_mem>>) src(%dma_wait3A_32 : memref<10240x32xf32, #tpu.memory_space<hbm>>) dst(%arg11 : memref<128x32xf32, #tpu.memory_space<vmem>>)
        tpu.yield
      }) : () -> ()
      %scan3A_24 = arith.constant 0 : i32
      %scan3A_25 = arith.constant 128 : i32
      %scan3A_26 = arith.addi %scan3A_24, %scan3A_25 : i32
      %scan3A_27 = arith.constant 1 : i32
      scf.for %scan3A_29 = %scan3A_24 to %scan3A_26 step %scan3A_27  : i32 {
        %mul3A_30 = arith.constant 1 : i32
        %mul3A_31 = arith.muli %scan3A_29, %mul3A_30 : i32
        %add3A_32 = arith.constant 0 : i32
        %add3A_33 = arith.addi %add3A_32, %mul3A_31 : i32
        %get3A = arith.index_cast %add3A_33 : i32 to index
        %get3A_34 = arith.constant 32 : index
        %get3A_35 = tpu.vector_load %arg10[%get3A, %get3A_34] {strides = array<i32>} : memref<128x64xf32, #tpu.memory_space<vmem>>, vector<1x16xf32>,
        %get3A_36 = vector.shape_cast %get3A_35 : vector<1x16xf32> to vector<16xf32>
        %get3A_37 = arith.index_cast %add3A_33 : i32 to index
        %get3A_38 = arith.constant 0 : index
        %get3A_39 = tpu.vector_load %arg11[%get3A_37, %get3A_38] {strides = array<i32>} : memref<128x32xf32, #tpu.memory_space<vmem>>, vector<1x16xf32>,
        %get3A_40 = vector.shape_cast %get3A_39 : vector<1x16xf32> to vector<16xf32>
        %add3A_41 = arith.addf %get3A_36, %get3A_40 : vector<16xf32>
        %mul3A_42 = arith.constant 2.000000e-01 : f32
        %mul3A_43 = vector.broadcast %mul3A_42 : f32 to vector<16xf32>
        %mul3A_44 = arith.mulf %mul3A_43, %add3A_41 : vector<16xf32>
        %max3A = arith.maximumf %add3A_41, %mul3A_44 : vector<16xf32>
        %exp3A = math.exp %max3A : vector<16xf32>
        %get3A_45 = arith.index_cast %add3A_33 : i32 to index
        %get3A_46 = arith.constant 0 : index
        %get3A_47 = tpu.vector_load %arg10[%get3A_45, %get3A_46] {strides = array<i32>} : memref<128x64xf32, #tpu.memory_space<vmem>>, vector<1x16xf32>,
        %get3A_48 = vector.shape_cast %get3A_47 : vector<1x16xf32> to vector<16xf32>
        %mul3A_49 = arith.mulf %get3A_48, %exp3A : vector<16xf32>
        %swap3A = arith.index_cast %add3A_33 : i32 to index
        %swap3A_50 = arith.constant 0 : index
        %swap3A_51 = tpu.vector_load %arg12[%swap3A, %swap3A_50] {strides = array<i32>} : memref<128x64xf32, #tpu.memory_space<vmem>>, vector<1x16xf32>,
        %swap3A_52 = vector.shape_cast %swap3A_51 : vector<1x16xf32> to vector<16xf32>
        %swap3A_53 = vector.shape_cast %mul3A_49 : vector<16xf32> to vector<1x16xf32>
        tpu.vector_store %arg12[%swap3A, %swap3A_50], %swap3A_53 {strides = array<i32>} : memref<128x64xf32, #tpu.memory_space<vmem>>, vector<1x16xf32>,
        %swap3A_54 = arith.index_cast %add3A_33 : i32 to index
        %swap3A_55 = arith.constant 32 : index
        %swap3A_56 = tpu.vector_load %arg12[%swap3A_54, %swap3A_55] {strides = array<i32>} : memref<128x64xf32, #tpu.memory_space<vmem>>, vector<1x16xf32>,
        %swap3A_57 = vector.shape_cast %swap3A_56 : vector<1x16xf32> to vector<16xf32>
        %swap3A_58 = vector.shape_cast %exp3A : vector<16xf32> to vector<1x16xf32>
        tpu.vector_store %arg12[%swap3A_54, %swap3A_55], %swap3A_58 {strides = array<i32>} : memref<128x64xf32, #tpu.memory_space<vmem>>, vector<1x16xf32>,
        %get3A_59 = arith.index_cast %add3A_33 : i32 to index
        %get3A_60 = arith.constant 48 : index
        %get3A_61 = tpu.vector_load %arg10[%get3A_59, %get3A_60] {strides = array<i32>} : memref<128x64xf32, #tpu.memory_space<vmem>>, vector<1x16xf32>,
        %get3A_62 = vector.shape_cast %get3A_61 : vector<1x16xf32> to vector<16xf32>
        %get3A_63 = arith.index_cast %add3A_33 : i32 to index
        %get3A_64 = arith.constant 16 : index
        %get3A_65 = tpu.vector_load %arg11[%get3A_63, %get3A_64] {strides = array<i32>} : memref<128x32xf32, #tpu.memory_space<vmem>>, vector<1x16xf32>,
        %get3A_66 = vector.shape_cast %get3A_65 : vector<1x16xf32> to vector<16xf32>
        %add3A_67 = arith.addf %get3A_62, %get3A_66 : vector<16xf32>
        %mul3A_68 = arith.constant 2.000000e-01 : f32
        %mul3A_69 = vector.broadcast %mul3A_68 : f32 to vector<16xf32>
        %mul3A_70 = arith.mulf %mul3A_69, %add3A_67 : vector<16xf32>
        %max3A_71 = arith.maximumf %add3A_67, %mul3A_70 : vector<16xf32>
        %exp3A_72 = math.exp %max3A_71 : vector<16xf32>
        %get3A_73 = arith.index_cast %add3A_33 : i32 to index
        %get3A_74 = arith.constant 16 : index
        %get3A_75 = tpu.vector_load %arg10[%get3A_73, %get3A_74] {strides = array<i32>} : memref<128x64xf32, #tpu.memory_space<vmem>>, vector<1x16xf32>,
        %get3A_76 = vector.shape_cast %get3A_75 : vector<1x16xf32> to vector<16xf32>
        %mul3A_77 = arith.mulf %get3A_76, %exp3A_72 : vector<16xf32>
        %swap3A_78 = arith.index_cast %add3A_33 : i32 to index
        %swap3A_79 = arith.constant 16 : index
        %swap3A_80 = tpu.vector_load %arg12[%swap3A_78, %swap3A_79] {strides = array<i32>} : memref<128x64xf32, #tpu.memory_space<vmem>>, vector<1x16xf32>,
        %swap3A_81 = vector.shape_cast %swap3A_80 : vector<1x16xf32> to vector<16xf32>
        %swap3A_82 = vector.shape_cast %mul3A_77 : vector<16xf32> to vector<1x16xf32>
        tpu.vector_store %arg12[%swap3A_78, %swap3A_79], %swap3A_82 {strides = array<i32>} : memref<128x64xf32, #tpu.memory_space<vmem>>, vector<1x16xf32>,
        %swap3A_83 = arith.index_cast %add3A_33 : i32 to index
        %swap3A_84 = arith.constant 48 : index
        %swap3A_85 = tpu.vector_load %arg12[%swap3A_83, %swap3A_84] {strides = array<i32>} : memref<128x64xf32, #tpu.memory_space<vmem>>, vector<1x16xf32>,
        %swap3A_86 = vector.shape_cast %swap3A_85 : vector<1x16xf32> to vector<16xf32>
        %swap3A_87 = vector.shape_cast %exp3A_72 : vector<16xf32> to vector<1x16xf32>
        tpu.vector_store %arg12[%swap3A_83, %swap3A_84], %swap3A_87 {strides = array<i32>} : memref<128x64xf32, #tpu.memory_space<vmem>>, vector<1x16xf32>,
      }
      %scan3A_28 = arith.constant 128 : i32
      "tpu.region"() ({
        %run_scoped3A = tpu.sem_alloc : memref<!tpu.dma_semaphore, #tpu.memory_space<semaphore_mem>>
        %dma_start3A = arith.constant 0 : i32
        %dma_start3A_29 = arith.constant 0 : i32
        %dma_start3A_30 = tpu.memref_slice %arg13[%dma_start3A, %dma_start3A_29] : memref<10240x64xf32, #tpu.memory_space<vmem_shared>> -> memref<10240x64xf32, #tpu.memory_space<vmem_shared>>
        tpu.enqueue_indirect_dma source(%arg12 : memref<128x64xf32, #tpu.memory_space<vmem>>) target(%dma_start3A_30 : memref<10240x64xf32, #tpu.memory_space<vmem_shared>>) offsets(%arg9 : memref<128xi32, #tpu.memory_space<vmem>>) semaphore(%run_scoped3A : memref<!tpu.dma_semaphore, #tpu.memory_space<semaphore_mem>>) {add = true}
        %dma_wait3A = arith.constant 0 : i32
        %dma_wait3A_31 = arith.constant 0 : i32
        %dma_wait3A_32 = tpu.memref_slice %arg13[%dma_wait3A, %dma_wait3A_31] : memref<10240x64xf32, #tpu.memory_space<vmem_shared>> -> memref<10240x64xf32, #tpu.memory_space<vmem_shared>>
        tpu.wait_indirect_dma semaphore(%run_scoped3A : memref<!tpu.dma_semaphore, #tpu.memory_space<semaphore_mem>>) src(%arg12 : memref<128x64xf32, #tpu.memory_space<vmem>>) dst(%dma_wait3A_32 : memref<10240x64xf32, #tpu.memory_space<vmem_shared>>)
        tpu.yield
      }) : () -> ()
    }
    %scan3A_10 = arith.constant 81 : i32
    %barrier3A_11 = arith.constant 0 : index
    tpu.barrier barrier_id(%barrier3A_11)
    %mul3A_12 = arith.constant 640 : i32
    %mul3A_13 = arith.muli %arg1, %mul3A_12 : i32
    %mul3A_14 = arith.constant 640 : i32
    %mul3A_15 = arith.muli %arg1, %mul3A_14 : i32
    "tpu.region"() ({
      %run_scoped3A = tpu.sem_alloc : memref<!tpu.dma_semaphore, #tpu.memory_space<semaphore_mem>>
      %dma_start3A = arith.constant 0 : i32
      %dma_start3A_16 = tpu.memref_slice %arg7[%arg0, %mul3A_15, %dma_start3A] : memref<2x10240x64xf32, #tpu.memory_space<hbm>> -> memref<1x640x64xf32, #tpu.memory_space<hbm>>
      %dma_start3A_17 = tpu.memref_squeeze %dma_start3A_16 : memref<1x640x64xf32, #tpu.memory_space<hbm>> -> memref<640x64xf32, #tpu.memory_space<hbm>>
      %dma_start3A_18 = arith.constant 0 : i32
      %dma_start3A_19 = tpu.memref_slice %arg13[%mul3A_13, %dma_start3A_18] : memref<10240x64xf32, #tpu.memory_space<vmem_shared>> -> memref<640x64xf32, #tpu.memory_space<vmem_shared>>
      tpu.enqueue_dma source(%dma_start3A_19 : memref<640x64xf32, #tpu.memory_space<vmem_shared>>) target(%dma_start3A_17 : memref<640x64xf32, #tpu.memory_space<hbm>>) target_semaphore(%run_scoped3A : memref<!tpu.dma_semaphore, #tpu.memory_space<semaphore_mem>>)
      %dma_wait3A = arith.constant 0 : i32
      %dma_wait3A_20 = tpu.memref_slice %arg7[%arg0, %mul3A_15, %dma_wait3A] : memref<2x10240x64xf32, #tpu.memory_space<hbm>> -> memref<1x640x64xf32, #tpu.memory_space<hbm>>
      %dma_wait3A_21 = tpu.memref_squeeze %dma_wait3A_20 : memref<1x640x64xf32, #tpu.memory_space<hbm>> -> memref<640x64xf32, #tpu.memory_space<hbm>>
      %dma_wait3A_22 = arith.constant 0 : i32
      %dma_wait3A_23 = tpu.memref_slice %arg13[%mul3A_13, %dma_wait3A_22] : memref<10240x64xf32, #tpu.memory_space<vmem_shared>> -> memref<640x64xf32, #tpu.memory_space<vmem_shared>>
      tpu.wait_dma2 semaphore(%run_scoped3A : memref<!tpu.dma_semaphore, #tpu.memory_space<semaphore_mem>>) src(%dma_wait3A_23 : memref<640x64xf32, #tpu.memory_space<vmem_shared>>) dst(%dma_wait3A_21 : memref<640x64xf32, #tpu.memory_space<hbm>>)
      tpu.yield
    }) : () -> ()
    return
  }
}

#map = affine_map<(d0, d1) -> (0)>
#map1 = affine_map<(d0, d1) -> (0, 0)>
#map2 = affine_map<(d0, d1) -> (0, 0, 0)>
module attributes {stable_mosaic.version = 14 : i64} {
  func.func @sc_pass(%arg0: i32, %arg1: i32, %arg2: memref<331776xi32, #tpu.memory_space<hbm>>, %arg3: memref<331776xi32, #tpu.memory_space<hbm>>, %arg4: memref<10240x128xf32, #tpu.memory_space<hbm>>, %arg5: memref<10240x64xf32, #tpu.memory_space<hbm>>, %arg6: memref<10240x128xf32, #tpu.memory_space<hbm>>, %arg7: memref<2x10240x128xf32, #tpu.memory_space<hbm>>, %arg8: memref<128xi32, #tpu.memory_space<vmem>>, %arg9: memref<128xi32, #tpu.memory_space<vmem>>, %arg10: memref<128x128xf32, #tpu.memory_space<vmem>>, %arg11: memref<128x64xf32, #tpu.memory_space<vmem>>, %arg12: memref<128x128xf32, #tpu.memory_space<vmem>>, %arg13: memref<10240x128xf32, #tpu.memory_space<vmem_shared>>) attributes {dimension_semantics = [#tpu.dimension_semantics<core_parallel>, #tpu.dimension_semantics<subcore_parallel>], iteration_bounds = array<i64: 2, 16>, scalar_prefetch = 0 : i64, scratch_operands = 6 : i64, tpu.core_type = #tpu.core_type<sc_vector_subcore>, window_params = [{transform_indices = #map}, {transform_indices = #map}, {transform_indices = #map1}, {transform_indices = #map1}, {transform_indices = #map1}, {transform_indices = #map2}]} {
    %mul3A = arith.constant 16 : i32
    %mul3A_0 = arith.muli %arg0, %mul3A : i32
    %add3A = arith.addi %mul3A_0, %arg1 : i32
    %mul3A_1 = arith.constant 640 : i32
    %mul3A_2 = arith.muli %arg1, %mul3A_1 : i32
    %mul3A_3 = arith.constant 640 : i32
    %mul3A_4 = arith.muli %arg1, %mul3A_3 : i32
    "tpu.region"() ({
      %run_scoped3A = tpu.sem_alloc : memref<!tpu.dma_semaphore, #tpu.memory_space<semaphore_mem>>
      %dma_start3A = arith.constant 0 : i32
      %dma_start3A_16 = tpu.memref_slice %arg13[%mul3A_4, %dma_start3A] : memref<10240x128xf32, #tpu.memory_space<vmem_shared>> -> memref<640x128xf32, #tpu.memory_space<vmem_shared>>
      %dma_start3A_17 = arith.constant 0 : i32
      %dma_start3A_18 = tpu.memref_slice %arg6[%mul3A_2, %dma_start3A_17] : memref<10240x128xf32, #tpu.memory_space<hbm>> -> memref<640x128xf32, #tpu.memory_space<hbm>>
      tpu.enqueue_dma source(%dma_start3A_18 : memref<640x128xf32, #tpu.memory_space<hbm>>) target(%dma_start3A_16 : memref<640x128xf32, #tpu.memory_space<vmem_shared>>) target_semaphore(%run_scoped3A : memref<!tpu.dma_semaphore, #tpu.memory_space<semaphore_mem>>)
      %dma_wait3A = arith.constant 0 : i32
      %dma_wait3A_19 = tpu.memref_slice %arg13[%mul3A_4, %dma_wait3A] : memref<10240x128xf32, #tpu.memory_space<vmem_shared>> -> memref<640x128xf32, #tpu.memory_space<vmem_shared>>
      %dma_wait3A_20 = arith.constant 0 : i32
      %dma_wait3A_21 = tpu.memref_slice %arg6[%mul3A_2, %dma_wait3A_20] : memref<10240x128xf32, #tpu.memory_space<hbm>> -> memref<640x128xf32, #tpu.memory_space<hbm>>
      tpu.wait_dma2 semaphore(%run_scoped3A : memref<!tpu.dma_semaphore, #tpu.memory_space<semaphore_mem>>) src(%dma_wait3A_21 : memref<640x128xf32, #tpu.memory_space<hbm>>) dst(%dma_wait3A_19 : memref<640x128xf32, #tpu.memory_space<vmem_shared>>)
      tpu.yield
    }) : () -> ()
    %barrier3A = arith.constant 0 : index
    tpu.barrier barrier_id(%barrier3A)
    %mul3A_5 = arith.constant 10368 : i32
    %mul3A_6 = arith.muli %add3A, %mul3A_5 : i32
    %scan3A = arith.constant 0 : i32
    %scan3A_7 = arith.constant 81 : i32
    %scan3A_8 = arith.addi %scan3A, %scan3A_7 : i32
    %scan3A_9 = arith.constant 1 : i32
    scf.for %scan3A_16 = %scan3A to %scan3A_8 step %scan3A_9  : i32 {
      %mul3A_17 = arith.constant 1 : i32
      %mul3A_18 = arith.muli %scan3A_16, %mul3A_17 : i32
      %add3A_19 = arith.constant 0 : i32
      %add3A_20 = arith.addi %add3A_19, %mul3A_18 : i32
      %mul3A_21 = arith.constant 128 : i32
      %mul3A_22 = arith.muli %add3A_20, %mul3A_21 : i32
      %add3A_23 = arith.addi %mul3A_6, %mul3A_22 : i32
      "tpu.region"() ({
        %run_scoped3A = tpu.sem_alloc : memref<!tpu.dma_semaphore, #tpu.memory_space<semaphore_mem>>
        %dma_start3A = tpu.memref_slice %arg2[%add3A_23] : memref<331776xi32, #tpu.memory_space<hbm>> -> memref<128xi32, #tpu.memory_space<hbm>>
        %dma_start3A_29 = tpu.memref_slice %arg2[%add3A_23] : memref<331776xi32, #tpu.memory_space<hbm>> -> memref<128xi32, #tpu.memory_space<hbm>>
        tpu.enqueue_dma source(%dma_start3A_29 : memref<128xi32, #tpu.memory_space<hbm>>) target(%arg8 : memref<128xi32, #tpu.memory_space<vmem>>) target_semaphore(%run_scoped3A : memref<!tpu.dma_semaphore, #tpu.memory_space<semaphore_mem>>)
        %dma_wait3A = tpu.memref_slice %arg2[%add3A_23] : memref<331776xi32, #tpu.memory_space<hbm>> -> memref<128xi32, #tpu.memory_space<hbm>>
        %dma_wait3A_30 = tpu.memref_slice %arg2[%add3A_23] : memref<331776xi32, #tpu.memory_space<hbm>> -> memref<128xi32, #tpu.memory_space<hbm>>
        tpu.wait_dma2 semaphore(%run_scoped3A : memref<!tpu.dma_semaphore, #tpu.memory_space<semaphore_mem>>) src(%dma_wait3A_30 : memref<128xi32, #tpu.memory_space<hbm>>) dst(%arg8 : memref<128xi32, #tpu.memory_space<vmem>>)
        tpu.yield
      }) : () -> ()
      "tpu.region"() ({
        %run_scoped3A = tpu.sem_alloc : memref<!tpu.dma_semaphore, #tpu.memory_space<semaphore_mem>>
        %dma_start3A = tpu.memref_slice %arg3[%add3A_23] : memref<331776xi32, #tpu.memory_space<hbm>> -> memref<128xi32, #tpu.memory_space<hbm>>
        %dma_start3A_29 = tpu.memref_slice %arg3[%add3A_23] : memref<331776xi32, #tpu.memory_space<hbm>> -> memref<128xi32, #tpu.memory_space<hbm>>
        tpu.enqueue_dma source(%dma_start3A_29 : memref<128xi32, #tpu.memory_space<hbm>>) target(%arg9 : memref<128xi32, #tpu.memory_space<vmem>>) target_semaphore(%run_scoped3A : memref<!tpu.dma_semaphore, #tpu.memory_space<semaphore_mem>>)
        %dma_wait3A = tpu.memref_slice %arg3[%add3A_23] : memref<331776xi32, #tpu.memory_space<hbm>> -> memref<128xi32, #tpu.memory_space<hbm>>
        %dma_wait3A_30 = tpu.memref_slice %arg3[%add3A_23] : memref<331776xi32, #tpu.memory_space<hbm>> -> memref<128xi32, #tpu.memory_space<hbm>>
        tpu.wait_dma2 semaphore(%run_scoped3A : memref<!tpu.dma_semaphore, #tpu.memory_space<semaphore_mem>>) src(%dma_wait3A_30 : memref<128xi32, #tpu.memory_space<hbm>>) dst(%arg9 : memref<128xi32, #tpu.memory_space<vmem>>)
        tpu.yield
      }) : () -> ()
      "tpu.region"() ({
        %run_scoped3A = tpu.sem_alloc : memref<!tpu.dma_semaphore, #tpu.memory_space<semaphore_mem>>
        %dma_start3A = arith.constant 0 : i32
        %dma_start3A_29 = arith.constant 0 : i32
        %dma_start3A_30 = tpu.memref_slice %arg4[%dma_start3A, %dma_start3A_29] : memref<10240x128xf32, #tpu.memory_space<hbm>> -> memref<10240x128xf32, #tpu.memory_space<hbm>>
        tpu.enqueue_indirect_dma source(%dma_start3A_30 : memref<10240x128xf32, #tpu.memory_space<hbm>>) target(%arg10 : memref<128x128xf32, #tpu.memory_space<vmem>>) offsets(%arg8 : memref<128xi32, #tpu.memory_space<vmem>>) semaphore(%run_scoped3A : memref<!tpu.dma_semaphore, #tpu.memory_space<semaphore_mem>>)
        %dma_wait3A = arith.constant 0 : i32
        %dma_wait3A_31 = arith.constant 0 : i32
        %dma_wait3A_32 = tpu.memref_slice %arg4[%dma_wait3A, %dma_wait3A_31] : memref<10240x128xf32, #tpu.memory_space<hbm>> -> memref<10240x128xf32, #tpu.memory_space<hbm>>
        tpu.wait_indirect_dma semaphore(%run_scoped3A : memref<!tpu.dma_semaphore, #tpu.memory_space<semaphore_mem>>) src(%dma_wait3A_32 : memref<10240x128xf32, #tpu.memory_space<hbm>>) dst(%arg10 : memref<128x128xf32, #tpu.memory_space<vmem>>)
        tpu.yield
      }) : () -> ()
      "tpu.region"() ({
        %run_scoped3A = tpu.sem_alloc : memref<!tpu.dma_semaphore, #tpu.memory_space<semaphore_mem>>
        %dma_start3A = arith.constant 0 : i32
        %dma_start3A_29 = arith.constant 0 : i32
        %dma_start3A_30 = tpu.memref_slice %arg5[%dma_start3A, %dma_start3A_29] : memref<10240x64xf32, #tpu.memory_space<hbm>> -> memref<10240x64xf32, #tpu.memory_space<hbm>>
        tpu.enqueue_indirect_dma source(%dma_start3A_30 : memref<10240x64xf32, #tpu.memory_space<hbm>>) target(%arg11 : memref<128x64xf32, #tpu.memory_space<vmem>>) offsets(%arg9 : memref<128xi32, #tpu.memory_space<vmem>>) semaphore(%run_scoped3A : memref<!tpu.dma_semaphore, #tpu.memory_space<semaphore_mem>>)
        %dma_wait3A = arith.constant 0 : i32
        %dma_wait3A_31 = arith.constant 0 : i32
        %dma_wait3A_32 = tpu.memref_slice %arg5[%dma_wait3A, %dma_wait3A_31] : memref<10240x64xf32, #tpu.memory_space<hbm>> -> memref<10240x64xf32, #tpu.memory_space<hbm>>
        tpu.wait_indirect_dma semaphore(%run_scoped3A : memref<!tpu.dma_semaphore, #tpu.memory_space<semaphore_mem>>) src(%dma_wait3A_32 : memref<10240x64xf32, #tpu.memory_space<hbm>>) dst(%arg11 : memref<128x64xf32, #tpu.memory_space<vmem>>)
        tpu.yield
      }) : () -> ()
      %scan3A_24 = arith.constant 0 : i32
      %scan3A_25 = arith.constant 128 : i32
      %scan3A_26 = arith.addi %scan3A_24, %scan3A_25 : i32
      %scan3A_27 = arith.constant 1 : i32
      scf.for %scan3A_29 = %scan3A_24 to %scan3A_26 step %scan3A_27  : i32 {
        %mul3A_30 = arith.constant 1 : i32
        %mul3A_31 = arith.muli %scan3A_29, %mul3A_30 : i32
        %add3A_32 = arith.constant 0 : i32
        %add3A_33 = arith.addi %add3A_32, %mul3A_31 : i32
        %get3A = arith.index_cast %add3A_33 : i32 to index
        %get3A_34 = arith.constant 64 : index
        %get3A_35 = tpu.vector_load %arg10[%get3A, %get3A_34] {strides = array<i32>} : memref<128x128xf32, #tpu.memory_space<vmem>>, vector<1x16xf32>,
        %get3A_36 = vector.shape_cast %get3A_35 : vector<1x16xf32> to vector<16xf32>
        %get3A_37 = arith.index_cast %add3A_33 : i32 to index
        %get3A_38 = arith.constant 0 : index
        %get3A_39 = tpu.vector_load %arg11[%get3A_37, %get3A_38] {strides = array<i32>} : memref<128x64xf32, #tpu.memory_space<vmem>>, vector<1x16xf32>,
        %get3A_40 = vector.shape_cast %get3A_39 : vector<1x16xf32> to vector<16xf32>
        %add3A_41 = arith.addf %get3A_36, %get3A_40 : vector<16xf32>
        %mul3A_42 = arith.constant 2.000000e-01 : f32
        %mul3A_43 = vector.broadcast %mul3A_42 : f32 to vector<16xf32>
        %mul3A_44 = arith.mulf %mul3A_43, %add3A_41 : vector<16xf32>
        %max3A = arith.maximumf %add3A_41, %mul3A_44 : vector<16xf32>
        %exp3A = math.exp %max3A : vector<16xf32>
        %get3A_45 = arith.index_cast %add3A_33 : i32 to index
        %get3A_46 = arith.constant 0 : index
        %get3A_47 = tpu.vector_load %arg10[%get3A_45, %get3A_46] {strides = array<i32>} : memref<128x128xf32, #tpu.memory_space<vmem>>, vector<1x16xf32>,
        %get3A_48 = vector.shape_cast %get3A_47 : vector<1x16xf32> to vector<16xf32>
        %mul3A_49 = arith.mulf %get3A_48, %exp3A : vector<16xf32>
        %swap3A = arith.index_cast %add3A_33 : i32 to index
        %swap3A_50 = arith.constant 0 : index
        %swap3A_51 = tpu.vector_load %arg12[%swap3A, %swap3A_50] {strides = array<i32>} : memref<128x128xf32, #tpu.memory_space<vmem>>, vector<1x16xf32>,
        %swap3A_52 = vector.shape_cast %swap3A_51 : vector<1x16xf32> to vector<16xf32>
        %swap3A_53 = vector.shape_cast %mul3A_49 : vector<16xf32> to vector<1x16xf32>
        tpu.vector_store %arg12[%swap3A, %swap3A_50], %swap3A_53 {strides = array<i32>} : memref<128x128xf32, #tpu.memory_space<vmem>>, vector<1x16xf32>,
        %swap3A_54 = arith.index_cast %add3A_33 : i32 to index
        %swap3A_55 = arith.constant 64 : index
        %swap3A_56 = tpu.vector_load %arg12[%swap3A_54, %swap3A_55] {strides = array<i32>} : memref<128x128xf32, #tpu.memory_space<vmem>>, vector<1x16xf32>,
        %swap3A_57 = vector.shape_cast %swap3A_56 : vector<1x16xf32> to vector<16xf32>
        %swap3A_58 = vector.shape_cast %exp3A : vector<16xf32> to vector<1x16xf32>
        tpu.vector_store %arg12[%swap3A_54, %swap3A_55], %swap3A_58 {strides = array<i32>} : memref<128x128xf32, #tpu.memory_space<vmem>>, vector<1x16xf32>,
        %get3A_59 = arith.index_cast %add3A_33 : i32 to index
        %get3A_60 = arith.constant 80 : index
        %get3A_61 = tpu.vector_load %arg10[%get3A_59, %get3A_60] {strides = array<i32>} : memref<128x128xf32, #tpu.memory_space<vmem>>, vector<1x16xf32>,
        %get3A_62 = vector.shape_cast %get3A_61 : vector<1x16xf32> to vector<16xf32>
        %get3A_63 = arith.index_cast %add3A_33 : i32 to index
        %get3A_64 = arith.constant 16 : index
        %get3A_65 = tpu.vector_load %arg11[%get3A_63, %get3A_64] {strides = array<i32>} : memref<128x64xf32, #tpu.memory_space<vmem>>, vector<1x16xf32>,
        %get3A_66 = vector.shape_cast %get3A_65 : vector<1x16xf32> to vector<16xf32>
        %add3A_67 = arith.addf %get3A_62, %get3A_66 : vector<16xf32>
        %mul3A_68 = arith.constant 2.000000e-01 : f32
        %mul3A_69 = vector.broadcast %mul3A_68 : f32 to vector<16xf32>
        %mul3A_70 = arith.mulf %mul3A_69, %add3A_67 : vector<16xf32>
        %max3A_71 = arith.maximumf %add3A_67, %mul3A_70 : vector<16xf32>
        %exp3A_72 = math.exp %max3A_71 : vector<16xf32>
        %get3A_73 = arith.index_cast %add3A_33 : i32 to index
        %get3A_74 = arith.constant 16 : index
        %get3A_75 = tpu.vector_load %arg10[%get3A_73, %get3A_74] {strides = array<i32>} : memref<128x128xf32, #tpu.memory_space<vmem>>, vector<1x16xf32>,
        %get3A_76 = vector.shape_cast %get3A_75 : vector<1x16xf32> to vector<16xf32>
        %mul3A_77 = arith.mulf %get3A_76, %exp3A_72 : vector<16xf32>
        %swap3A_78 = arith.index_cast %add3A_33 : i32 to index
        %swap3A_79 = arith.constant 16 : index
        %swap3A_80 = tpu.vector_load %arg12[%swap3A_78, %swap3A_79] {strides = array<i32>} : memref<128x128xf32, #tpu.memory_space<vmem>>, vector<1x16xf32>,
        %swap3A_81 = vector.shape_cast %swap3A_80 : vector<1x16xf32> to vector<16xf32>
        %swap3A_82 = vector.shape_cast %mul3A_77 : vector<16xf32> to vector<1x16xf32>
        tpu.vector_store %arg12[%swap3A_78, %swap3A_79], %swap3A_82 {strides = array<i32>} : memref<128x128xf32, #tpu.memory_space<vmem>>, vector<1x16xf32>,
        %swap3A_83 = arith.index_cast %add3A_33 : i32 to index
        %swap3A_84 = arith.constant 80 : index
        %swap3A_85 = tpu.vector_load %arg12[%swap3A_83, %swap3A_84] {strides = array<i32>} : memref<128x128xf32, #tpu.memory_space<vmem>>, vector<1x16xf32>,
        %swap3A_86 = vector.shape_cast %swap3A_85 : vector<1x16xf32> to vector<16xf32>
        %swap3A_87 = vector.shape_cast %exp3A_72 : vector<16xf32> to vector<1x16xf32>
        tpu.vector_store %arg12[%swap3A_83, %swap3A_84], %swap3A_87 {strides = array<i32>} : memref<128x128xf32, #tpu.memory_space<vmem>>, vector<1x16xf32>,
        %get3A_88 = arith.index_cast %add3A_33 : i32 to index
        %get3A_89 = arith.constant 96 : index
        %get3A_90 = tpu.vector_load %arg10[%get3A_88, %get3A_89] {strides = array<i32>} : memref<128x128xf32, #tpu.memory_space<vmem>>, vector<1x16xf32>,
        %get3A_91 = vector.shape_cast %get3A_90 : vector<1x16xf32> to vector<16xf32>
        %get3A_92 = arith.index_cast %add3A_33 : i32 to index
        %get3A_93 = arith.constant 32 : index
        %get3A_94 = tpu.vector_load %arg11[%get3A_92, %get3A_93] {strides = array<i32>} : memref<128x64xf32, #tpu.memory_space<vmem>>, vector<1x16xf32>,
        %get3A_95 = vector.shape_cast %get3A_94 : vector<1x16xf32> to vector<16xf32>
        %add3A_96 = arith.addf %get3A_91, %get3A_95 : vector<16xf32>
        %mul3A_97 = arith.constant 2.000000e-01 : f32
        %mul3A_98 = vector.broadcast %mul3A_97 : f32 to vector<16xf32>
        %mul3A_99 = arith.mulf %mul3A_98, %add3A_96 : vector<16xf32>
        %max3A_100 = arith.maximumf %add3A_96, %mul3A_99 : vector<16xf32>
        %exp3A_101 = math.exp %max3A_100 : vector<16xf32>
        %get3A_102 = arith.index_cast %add3A_33 : i32 to index
        %get3A_103 = arith.constant 32 : index
        %get3A_104 = tpu.vector_load %arg10[%get3A_102, %get3A_103] {strides = array<i32>} : memref<128x128xf32, #tpu.memory_space<vmem>>, vector<1x16xf32>,
        %get3A_105 = vector.shape_cast %get3A_104 : vector<1x16xf32> to vector<16xf32>
        %mul3A_106 = arith.mulf %get3A_105, %exp3A_101 : vector<16xf32>
        %swap3A_107 = arith.index_cast %add3A_33 : i32 to index
        %swap3A_108 = arith.constant 32 : index
        %swap3A_109 = tpu.vector_load %arg12[%swap3A_107, %swap3A_108] {strides = array<i32>} : memref<128x128xf32, #tpu.memory_space<vmem>>, vector<1x16xf32>,
        %swap3A_110 = vector.shape_cast %swap3A_109 : vector<1x16xf32> to vector<16xf32>
        %swap3A_111 = vector.shape_cast %mul3A_106 : vector<16xf32> to vector<1x16xf32>
        tpu.vector_store %arg12[%swap3A_107, %swap3A_108], %swap3A_111 {strides = array<i32>} : memref<128x128xf32, #tpu.memory_space<vmem>>, vector<1x16xf32>,
        %swap3A_112 = arith.index_cast %add3A_33 : i32 to index
        %swap3A_113 = arith.constant 96 : index
        %swap3A_114 = tpu.vector_load %arg12[%swap3A_112, %swap3A_113] {strides = array<i32>} : memref<128x128xf32, #tpu.memory_space<vmem>>, vector<1x16xf32>,
        %swap3A_115 = vector.shape_cast %swap3A_114 : vector<1x16xf32> to vector<16xf32>
        %swap3A_116 = vector.shape_cast %exp3A_101 : vector<16xf32> to vector<1x16xf32>
        tpu.vector_store %arg12[%swap3A_112, %swap3A_113], %swap3A_116 {strides = array<i32>} : memref<128x128xf32, #tpu.memory_space<vmem>>, vector<1x16xf32>,
        %get3A_117 = arith.index_cast %add3A_33 : i32 to index
        %get3A_118 = arith.constant 112 : index
        %get3A_119 = tpu.vector_load %arg10[%get3A_117, %get3A_118] {strides = array<i32>} : memref<128x128xf32, #tpu.memory_space<vmem>>, vector<1x16xf32>,
        %get3A_120 = vector.shape_cast %get3A_119 : vector<1x16xf32> to vector<16xf32>
        %get3A_121 = arith.index_cast %add3A_33 : i32 to index
        %get3A_122 = arith.constant 48 : index
        %get3A_123 = tpu.vector_load %arg11[%get3A_121, %get3A_122] {strides = array<i32>} : memref<128x64xf32, #tpu.memory_space<vmem>>, vector<1x16xf32>,
        %get3A_124 = vector.shape_cast %get3A_123 : vector<1x16xf32> to vector<16xf32>
        %add3A_125 = arith.addf %get3A_120, %get3A_124 : vector<16xf32>
        %mul3A_126 = arith.constant 2.000000e-01 : f32
        %mul3A_127 = vector.broadcast %mul3A_126 : f32 to vector<16xf32>
        %mul3A_128 = arith.mulf %mul3A_127, %add3A_125 : vector<16xf32>
        %max3A_129 = arith.maximumf %add3A_125, %mul3A_128 : vector<16xf32>
        %exp3A_130 = math.exp %max3A_129 : vector<16xf32>
        %get3A_131 = arith.index_cast %add3A_33 : i32 to index
        %get3A_132 = arith.constant 48 : index
        %get3A_133 = tpu.vector_load %arg10[%get3A_131, %get3A_132] {strides = array<i32>} : memref<128x128xf32, #tpu.memory_space<vmem>>, vector<1x16xf32>,
        %get3A_134 = vector.shape_cast %get3A_133 : vector<1x16xf32> to vector<16xf32>
        %mul3A_135 = arith.mulf %get3A_134, %exp3A_130 : vector<16xf32>
        %swap3A_136 = arith.index_cast %add3A_33 : i32 to index
        %swap3A_137 = arith.constant 48 : index
        %swap3A_138 = tpu.vector_load %arg12[%swap3A_136, %swap3A_137] {strides = array<i32>} : memref<128x128xf32, #tpu.memory_space<vmem>>, vector<1x16xf32>,
        %swap3A_139 = vector.shape_cast %swap3A_138 : vector<1x16xf32> to vector<16xf32>
        %swap3A_140 = vector.shape_cast %mul3A_135 : vector<16xf32> to vector<1x16xf32>
        tpu.vector_store %arg12[%swap3A_136, %swap3A_137], %swap3A_140 {strides = array<i32>} : memref<128x128xf32, #tpu.memory_space<vmem>>, vector<1x16xf32>,
        %swap3A_141 = arith.index_cast %add3A_33 : i32 to index
        %swap3A_142 = arith.constant 112 : index
        %swap3A_143 = tpu.vector_load %arg12[%swap3A_141, %swap3A_142] {strides = array<i32>} : memref<128x128xf32, #tpu.memory_space<vmem>>, vector<1x16xf32>,
        %swap3A_144 = vector.shape_cast %swap3A_143 : vector<1x16xf32> to vector<16xf32>
        %swap3A_145 = vector.shape_cast %exp3A_130 : vector<16xf32> to vector<1x16xf32>
        tpu.vector_store %arg12[%swap3A_141, %swap3A_142], %swap3A_145 {strides = array<i32>} : memref<128x128xf32, #tpu.memory_space<vmem>>, vector<1x16xf32>,
      }
      %scan3A_28 = arith.constant 128 : i32
      "tpu.region"() ({
        %run_scoped3A = tpu.sem_alloc : memref<!tpu.dma_semaphore, #tpu.memory_space<semaphore_mem>>
        %dma_start3A = arith.constant 0 : i32
        %dma_start3A_29 = arith.constant 0 : i32
        %dma_start3A_30 = tpu.memref_slice %arg13[%dma_start3A, %dma_start3A_29] : memref<10240x128xf32, #tpu.memory_space<vmem_shared>> -> memref<10240x128xf32, #tpu.memory_space<vmem_shared>>
        tpu.enqueue_indirect_dma source(%arg12 : memref<128x128xf32, #tpu.memory_space<vmem>>) target(%dma_start3A_30 : memref<10240x128xf32, #tpu.memory_space<vmem_shared>>) offsets(%arg9 : memref<128xi32, #tpu.memory_space<vmem>>) semaphore(%run_scoped3A : memref<!tpu.dma_semaphore, #tpu.memory_space<semaphore_mem>>) {add = true}
        %dma_wait3A = arith.constant 0 : i32
        %dma_wait3A_31 = arith.constant 0 : i32
        %dma_wait3A_32 = tpu.memref_slice %arg13[%dma_wait3A, %dma_wait3A_31] : memref<10240x128xf32, #tpu.memory_space<vmem_shared>> -> memref<10240x128xf32, #tpu.memory_space<vmem_shared>>
        tpu.wait_indirect_dma semaphore(%run_scoped3A : memref<!tpu.dma_semaphore, #tpu.memory_space<semaphore_mem>>) src(%arg12 : memref<128x128xf32, #tpu.memory_space<vmem>>) dst(%dma_wait3A_32 : memref<10240x128xf32, #tpu.memory_space<vmem_shared>>)
        tpu.yield
      }) : () -> ()
    }
    %scan3A_10 = arith.constant 81 : i32
    %barrier3A_11 = arith.constant 0 : index
    tpu.barrier barrier_id(%barrier3A_11)
    %mul3A_12 = arith.constant 640 : i32
    %mul3A_13 = arith.muli %arg1, %mul3A_12 : i32
    %mul3A_14 = arith.constant 640 : i32
    %mul3A_15 = arith.muli %arg1, %mul3A_14 : i32
    "tpu.region"() ({
      %run_scoped3A = tpu.sem_alloc : memref<!tpu.dma_semaphore, #tpu.memory_space<semaphore_mem>>
      %dma_start3A = arith.constant 0 : i32
      %dma_start3A_16 = tpu.memref_slice %arg7[%arg0, %mul3A_15, %dma_start3A] : memref<2x10240x128xf32, #tpu.memory_space<hbm>> -> memref<1x640x128xf32, #tpu.memory_space<hbm>>
      %dma_start3A_17 = tpu.memref_squeeze %dma_start3A_16 : memref<1x640x128xf32, #tpu.memory_space<hbm>> -> memref<640x128xf32, #tpu.memory_space<hbm>>
      %dma_start3A_18 = arith.constant 0 : i32
      %dma_start3A_19 = tpu.memref_slice %arg13[%mul3A_13, %dma_start3A_18] : memref<10240x128xf32, #tpu.memory_space<vmem_shared>> -> memref<640x128xf32, #tpu.memory_space<vmem_shared>>
      tpu.enqueue_dma source(%dma_start3A_19 : memref<640x128xf32, #tpu.memory_space<vmem_shared>>) target(%dma_start3A_17 : memref<640x128xf32, #tpu.memory_space<hbm>>) target_semaphore(%run_scoped3A : memref<!tpu.dma_semaphore, #tpu.memory_space<semaphore_mem>>)
      %dma_wait3A = arith.constant 0 : i32
      %dma_wait3A_20 = tpu.memref_slice %arg7[%arg0, %mul3A_15, %dma_wait3A] : memref<2x10240x128xf32, #tpu.memory_space<hbm>> -> memref<1x640x128xf32, #tpu.memory_space<hbm>>
      %dma_wait3A_21 = tpu.memref_squeeze %dma_wait3A_20 : memref<1x640x128xf32, #tpu.memory_space<hbm>> -> memref<640x128xf32, #tpu.memory_space<hbm>>
      %dma_wait3A_22 = arith.constant 0 : i32
      %dma_wait3A_23 = tpu.memref_slice %arg13[%mul3A_13, %dma_wait3A_22] : memref<10240x128xf32, #tpu.memory_space<vmem_shared>> -> memref<640x128xf32, #tpu.memory_space<vmem_shared>>
      tpu.wait_dma2 semaphore(%run_scoped3A : memref<!tpu.dma_semaphore, #tpu.memory_space<semaphore_mem>>) src(%dma_wait3A_23 : memref<640x128xf32, #tpu.memory_space<vmem_shared>>) dst(%dma_wait3A_21 : memref<640x128xf32, #tpu.memory_space<hbm>>)
      tpu.yield
    }) : () -> ()
    return
  }
}

module attributes {stable_mosaic.version = 14 : i64} {
  func.func @body(%arg0: i32, %arg1: memref<256x128xf32, #tpu.memory_space<vmem>>, %arg2: memref<128x64xf32, #tpu.memory_space<vmem>>, %arg3: memref<64x64xf32, #tpu.memory_space<vmem>>, %arg4: memref<64x64xf32, #tpu.memory_space<vmem>>, %arg5: memref<256x128xf32, #tpu.memory_space<vmem>>, %arg6: memref<256x64xf32, #tpu.memory_space<vmem>>) attributes {dimension_semantics = [#tpu.dimension_semantics<arbitrary>], iteration_bounds = array<i64: 40>, scalar_prefetch = 0 : i64, scratch_operands = 0 : i64, tpu.core_type = #tpu.core_type<tc>, window_params = [{transform_indices = @transform_0, window_bounds = array<i64: 256, 128>}, {pipeline_mode = #tpu.pipeline_mode<synchronous>, transform_indices = @transform_1, window_bounds = array<i64: 128, 64>}, {pipeline_mode = #tpu.pipeline_mode<synchronous>, transform_indices = @transform_2, window_bounds = array<i64: 64, 64>}, {pipeline_mode = #tpu.pipeline_mode<synchronous>, transform_indices = @transform_3, window_bounds = array<i64: 64, 64>}, {transform_indices = @transform_4, window_bounds = array<i64: 256, 128>}, {transform_indices = @transform_5, window_bounds = array<i64: 256, 64>}]} {
    %get3A = arith.constant 0 : index
    %get3A_0 = arith.constant 0 : index
    %get3A_1 = vector.load %arg1[%get3A, %get3A_0] : memref<256x128xf32, #tpu.memory_space<vmem>>, vector<256x128xf32>
    %get3A_2 = arith.constant 0 : index
    %get3A_3 = arith.constant 0 : index
    %get3A_4 = vector.load %arg2[%get3A_2, %get3A_3] : memref<128x64xf32, #tpu.memory_space<vmem>>, vector<128x64xf32>
    %dot_general3A = arith.constant dense<0.000000e+00> : vector<256x64xf32>
    %dot_general3A_5 = tpu.matmul %get3A_1, %get3A_4, %dot_general3A {dimension_numbers = #tpu.dot_dimension_numbers<[1], [0], [0], [1], [0, 0, 1, 1], [], []>, precision = #tpu.contract_precision<fp32>, transpose_lhs_hint = false} : vector<256x128xf32>, vector<128x64xf32>, vector<256x64xf32> -> vector<256x64xf32>
    %swap3A = arith.constant 0 : index
    %swap3A_6 = arith.constant 0 : index
    %swap3A_7 = vector.load %arg5[%swap3A, %swap3A_6] : memref<256x128xf32, #tpu.memory_space<vmem>>, vector<256x64xf32>
    tpu.vector_store %arg5[%swap3A, %swap3A_6], %dot_general3A_5 {strides = array<i32>} : memref<256x128xf32, #tpu.memory_space<vmem>>, vector<256x64xf32>,
    %get3A_8 = arith.constant 0 : index
    %get3A_9 = arith.constant 0 : index
    %get3A_10 = vector.load %arg3[%get3A_8, %get3A_9] : memref<64x64xf32, #tpu.memory_space<vmem>>, vector<64x64xf32>
    %dot_general3A_11 = arith.constant dense<0.000000e+00> : vector<256x64xf32>
    %dot_general3A_12 = tpu.matmul %dot_general3A_5, %get3A_10, %dot_general3A_11 {dimension_numbers = #tpu.dot_dimension_numbers<[1], [0], [0], [1], [0, 0, 1, 1], [], []>, precision = #tpu.contract_precision<fp32>, transpose_lhs_hint = false} : vector<256x64xf32>, vector<64x64xf32>, vector<256x64xf32> -> vector<256x64xf32>
    %swap3A_13 = arith.constant 0 : index
    %swap3A_14 = arith.constant 64 : index
    %swap3A_15 = vector.load %arg5[%swap3A_13, %swap3A_14] : memref<256x128xf32, #tpu.memory_space<vmem>>, vector<256x64xf32>
    tpu.vector_store %arg5[%swap3A_13, %swap3A_14], %dot_general3A_12 {strides = array<i32>} : memref<256x128xf32, #tpu.memory_space<vmem>>, vector<256x64xf32>,
    %get3A_16 = arith.constant 0 : index
    %get3A_17 = arith.constant 0 : index
    %get3A_18 = vector.load %arg4[%get3A_16, %get3A_17] : memref<64x64xf32, #tpu.memory_space<vmem>>, vector<64x64xf32>
    %dot_general3A_19 = arith.constant dense<0.000000e+00> : vector<256x64xf32>
    %dot_general3A_20 = tpu.matmul %dot_general3A_5, %get3A_18, %dot_general3A_19 {dimension_numbers = #tpu.dot_dimension_numbers<[1], [0], [0], [1], [0, 0, 1, 1], [], []>, precision = #tpu.contract_precision<fp32>, transpose_lhs_hint = false} : vector<256x64xf32>, vector<64x64xf32>, vector<256x64xf32> -> vector<256x64xf32>
    %swap3A_21 = arith.constant 0 : index
    %swap3A_22 = arith.constant 0 : index
    %swap3A_23 = vector.load %arg6[%swap3A_21, %swap3A_22] : memref<256x64xf32, #tpu.memory_space<vmem>>, vector<256x64xf32>
    tpu.vector_store %arg6[%swap3A_21, %swap3A_22], %dot_general3A_20 {strides = array<i32>} : memref<256x64xf32, #tpu.memory_space<vmem>>, vector<256x64xf32>,
    return
  }
  func.func @transform_0(%arg0: i32) -> (i32, i32) {
    %c0_i32 = arith.constant 0 : i32
    %c0_i32_0 = arith.constant 0 : i32
    return %arg0, %c0_i32 : i32, i32
  }
  func.func @transform_1(%arg0: i32) -> (i32, i32) {
    %c0_i32 = arith.constant 0 : i32
    %c0_i32_0 = arith.constant 0 : i32
    %c0_i32_1 = arith.constant 0 : i32
    return %c0_i32, %c0_i32_0 : i32, i32
  }
  func.func @transform_2(%arg0: i32) -> (i32, i32) {
    %c0_i32 = arith.constant 0 : i32
    %c0_i32_0 = arith.constant 0 : i32
    %c0_i32_1 = arith.constant 0 : i32
    return %c0_i32, %c0_i32_0 : i32, i32
  }
  func.func @transform_3(%arg0: i32) -> (i32, i32) {
    %c0_i32 = arith.constant 0 : i32
    %c0_i32_0 = arith.constant 0 : i32
    %c0_i32_1 = arith.constant 0 : i32
    return %c0_i32, %c0_i32_0 : i32, i32
  }
  func.func @transform_4(%arg0: i32) -> (i32, i32) {
    %c0_i32 = arith.constant 0 : i32
    %c0_i32_0 = arith.constant 0 : i32
    return %arg0, %c0_i32 : i32, i32
  }
  func.func @transform_5(%arg0: i32) -> (i32, i32) {
    %c0_i32 = arith.constant 0 : i32
    %c0_i32_0 = arith.constant 0 : i32
    return %arg0, %c0_i32 : i32, i32
  }
}

module attributes {stable_mosaic.version = 14 : i64} {
  func.func @body(%arg0: i32, %arg1: memref<2x256x128xf32, #tpu.memory_space<vmem>>, %arg2: memref<1x64xf32, #tpu.memory_space<vmem>>, %arg3: memref<64x32xf32, #tpu.memory_space<vmem>>, %arg4: memref<32x1xf32, #tpu.memory_space<vmem>>, %arg5: memref<32x1xf32, #tpu.memory_space<vmem>>, %arg6: memref<256x64xf32, #tpu.memory_space<vmem>>, %arg7: memref<256x32xf32, #tpu.memory_space<vmem>>) attributes {dimension_semantics = [#tpu.dimension_semantics<arbitrary>], iteration_bounds = array<i64: 40>, scalar_prefetch = 0 : i64, scratch_operands = 0 : i64, tpu.core_type = #tpu.core_type<tc>, window_params = [{transform_indices = @transform_0, window_bounds = array<i64: 2, 256, 128>}, {pipeline_mode = #tpu.pipeline_mode<synchronous>, transform_indices = @transform_1, window_bounds = array<i64: 1, 64>}, {pipeline_mode = #tpu.pipeline_mode<synchronous>, transform_indices = @transform_2, window_bounds = array<i64: 64, 32>}, {pipeline_mode = #tpu.pipeline_mode<synchronous>, transform_indices = @transform_3, window_bounds = array<i64: 32, 1>}, {pipeline_mode = #tpu.pipeline_mode<synchronous>, transform_indices = @transform_4, window_bounds = array<i64: 32, 1>}, {transform_indices = @transform_5, window_bounds = array<i64: 256, 64>}, {transform_indices = @transform_6, window_bounds = array<i64: 256, 32>}]} {
    %get3A = arith.constant 0 : index
    %get3A_0 = arith.constant 0 : index
    %get3A_1 = arith.constant 0 : index
    %get3A_2 = vector.load %arg1[%get3A, %get3A_0, %get3A_1] : memref<2x256x128xf32, #tpu.memory_space<vmem>>, vector<1x256x128xf32>
    %get3A_3 = vector.shape_cast %get3A_2 : vector<1x256x128xf32> to vector<256x128xf32>
    %get3A_4 = arith.constant 1 : index
    %get3A_5 = arith.constant 0 : index
    %get3A_6 = arith.constant 0 : index
    %get3A_7 = vector.load %arg1[%get3A_4, %get3A_5, %get3A_6] : memref<2x256x128xf32, #tpu.memory_space<vmem>>, vector<1x256x128xf32>
    %get3A_8 = vector.shape_cast %get3A_7 : vector<1x256x128xf32> to vector<256x128xf32>
    %add3A = arith.addf %get3A_3, %get3A_8 : vector<256x128xf32>
    %slice3A = vector.extract_strided_slice %add3A {offsets = [0, 0], sizes = [256, 64], strides = [1, 1]} : vector<256x128xf32> to vector<256x64xf32>
    %slice3A_9 = vector.extract_strided_slice %add3A {offsets = [0, 64], sizes = [256, 64], strides = [1, 1]} : vector<256x128xf32> to vector<256x64xf32>
    %add3A_10 = arith.constant 1.000000e-16 : f32
    %add3A_11 = vector.broadcast %add3A_10 : f32 to vector<256x64xf32>
    %add3A_12 = arith.addf %slice3A_9, %add3A_11 : vector<256x64xf32>
    %div3A = arith.divf %slice3A, %add3A_12 : vector<256x64xf32>
    %get3A_13 = arith.constant 0 : index
    %get3A_14 = arith.constant 0 : index
    %get3A_15 = vector.load %arg2[%get3A_13, %get3A_14] : memref<1x64xf32, #tpu.memory_space<vmem>>, vector<1x64xf32>
    %add3A_16 = vector.broadcast %get3A_15 : vector<1x64xf32> to vector<256x64xf32>
    %add3A_17 = arith.addf %div3A, %add3A_16 : vector<256x64xf32>
    %max3A = arith.constant 0.000000e+00 : f32
    %max3A_18 = vector.broadcast %max3A : f32 to vector<256x64xf32>
    %max3A_19 = arith.maximumf %add3A_17, %max3A_18 : vector<256x64xf32>
    %get3A_20 = arith.constant 0 : index
    %get3A_21 = arith.constant 0 : index
    %get3A_22 = vector.load %arg3[%get3A_20, %get3A_21] : memref<64x32xf32, #tpu.memory_space<vmem>>, vector<64x32xf32>
    %dot_general3A = arith.constant dense<0.000000e+00> : vector<256x32xf32>
    %dot_general3A_23 = tpu.matmul %max3A_19, %get3A_22, %dot_general3A {dimension_numbers = #tpu.dot_dimension_numbers<[1], [0], [0], [1], [0, 0, 1, 1], [], []>, precision = #tpu.contract_precision<fp32>, transpose_lhs_hint = false} : vector<256x64xf32>, vector<64x32xf32>, vector<256x32xf32> -> vector<256x32xf32>
    %get3A_24 = arith.constant 0 : index
    %get3A_25 = arith.constant 0 : index
    %get3A_26 = vector.load %arg4[%get3A_24, %get3A_25] : memref<32x1xf32, #tpu.memory_space<vmem>>, vector<32x1xf32>
    %dot_general3A_27 = arith.constant dense<0.000000e+00> : vector<256x1xf32>
    %dot_general3A_28 = tpu.matmul %dot_general3A_23, %get3A_26, %dot_general3A_27 {dimension_numbers = #tpu.dot_dimension_numbers<[1], [0], [0], [1], [0, 0, 1, 1], [], []>, precision = #tpu.contract_precision<fp32>, transpose_lhs_hint = false} : vector<256x32xf32>, vector<32x1xf32>, vector<256x1xf32> -> vector<256x1xf32>
    %get3A_29 = arith.constant 0 : index
    %get3A_30 = arith.constant 0 : index
    %get3A_31 = vector.load %arg5[%get3A_29, %get3A_30] : memref<32x1xf32, #tpu.memory_space<vmem>>, vector<32x1xf32>
    %dot_general3A_32 = arith.constant dense<0.000000e+00> : vector<256x1xf32>
    %dot_general3A_33 = tpu.matmul %dot_general3A_23, %get3A_31, %dot_general3A_32 {dimension_numbers = #tpu.dot_dimension_numbers<[1], [0], [0], [1], [0, 0, 1, 1], [], []>, precision = #tpu.contract_precision<fp32>, transpose_lhs_hint = false} : vector<256x32xf32>, vector<32x1xf32>, vector<256x1xf32> -> vector<256x1xf32>
    %swap3A = arith.constant 0 : index
    %swap3A_34 = arith.constant 0 : index
    %swap3A_35 = vector.load %arg6[%swap3A, %swap3A_34] : memref<256x64xf32, #tpu.memory_space<vmem>>, vector<256x32xf32>
    tpu.vector_store %arg6[%swap3A, %swap3A_34], %dot_general3A_23 {strides = array<i32>} : memref<256x64xf32, #tpu.memory_space<vmem>>, vector<256x32xf32>,
    %broadcast_in_dim3A = vector.shape_cast %dot_general3A_28 : vector<256x1xf32> to vector<256x1xf32>
    %broadcast_in_dim3A_36 = vector.broadcast %broadcast_in_dim3A : vector<256x1xf32> to vector<256x32xf32>
    %swap3A_37 = arith.constant 0 : index
    %swap3A_38 = arith.constant 32 : index
    %swap3A_39 = vector.load %arg6[%swap3A_37, %swap3A_38] : memref<256x64xf32, #tpu.memory_space<vmem>>, vector<256x32xf32>
    tpu.vector_store %arg6[%swap3A_37, %swap3A_38], %broadcast_in_dim3A_36 {strides = array<i32>} : memref<256x64xf32, #tpu.memory_space<vmem>>, vector<256x32xf32>,
    %broadcast_in_dim3A_40 = vector.shape_cast %dot_general3A_33 : vector<256x1xf32> to vector<256x1xf32>
    %broadcast_in_dim3A_41 = vector.broadcast %broadcast_in_dim3A_40 : vector<256x1xf32> to vector<256x32xf32>
    %swap3A_42 = arith.constant 0 : index
    %swap3A_43 = arith.constant 0 : index
    %swap3A_44 = vector.load %arg7[%swap3A_42, %swap3A_43] : memref<256x32xf32, #tpu.memory_space<vmem>>, vector<256x32xf32>
    tpu.vector_store %arg7[%swap3A_42, %swap3A_43], %broadcast_in_dim3A_41 {strides = array<i32>} : memref<256x32xf32, #tpu.memory_space<vmem>>, vector<256x32xf32>,
    return
  }
  func.func @transform_0(%arg0: i32) -> (i32, i32, i32) {
    %c0_i32 = arith.constant 0 : i32
    %c0_i32_0 = arith.constant 0 : i32
    %c0_i32_1 = arith.constant 0 : i32
    return %c0_i32, %arg0, %c0_i32_0 : i32, i32, i32
  }
  func.func @transform_1(%arg0: i32) -> (i32, i32) {
    %c0_i32 = arith.constant 0 : i32
    %c0_i32_0 = arith.constant 0 : i32
    %c0_i32_1 = arith.constant 0 : i32
    return %c0_i32, %c0_i32_0 : i32, i32
  }
  func.func @transform_2(%arg0: i32) -> (i32, i32) {
    %c0_i32 = arith.constant 0 : i32
    %c0_i32_0 = arith.constant 0 : i32
    %c0_i32_1 = arith.constant 0 : i32
    return %c0_i32, %c0_i32_0 : i32, i32
  }
  func.func @transform_3(%arg0: i32) -> (i32, i32) {
    %c0_i32 = arith.constant 0 : i32
    %c0_i32_0 = arith.constant 0 : i32
    %c0_i32_1 = arith.constant 0 : i32
    return %c0_i32, %c0_i32_0 : i32, i32
  }
  func.func @transform_4(%arg0: i32) -> (i32, i32) {
    %c0_i32 = arith.constant 0 : i32
    %c0_i32_0 = arith.constant 0 : i32
    %c0_i32_1 = arith.constant 0 : i32
    return %c0_i32, %c0_i32_0 : i32, i32
  }
  func.func @transform_5(%arg0: i32) -> (i32, i32) {
    %c0_i32 = arith.constant 0 : i32
    %c0_i32_0 = arith.constant 0 : i32
    return %arg0, %c0_i32 : i32, i32
  }
  func.func @transform_6(%arg0: i32) -> (i32, i32) {
    %c0_i32 = arith.constant 0 : i32
    %c0_i32_0 = arith.constant 0 : i32
    return %arg0, %c0_i32 : i32, i32
  }
}

module attributes {stable_mosaic.version = 14 : i64} {
  func.func @body(%arg0: i32, %arg1: memref<2x256x64xf32, #tpu.memory_space<vmem>>, %arg2: memref<1x32xf32, #tpu.memory_space<vmem>>, %arg3: memref<256x32xf32, #tpu.memory_space<vmem>>) attributes {dimension_semantics = [#tpu.dimension_semantics<arbitrary>], iteration_bounds = array<i64: 40>, scalar_prefetch = 0 : i64, scratch_operands = 0 : i64, tpu.core_type = #tpu.core_type<tc>, window_params = [{transform_indices = @transform_0, window_bounds = array<i64: 2, 256, 64>}, {pipeline_mode = #tpu.pipeline_mode<synchronous>, transform_indices = @transform_1, window_bounds = array<i64: 1, 32>}, {transform_indices = @transform_2, window_bounds = array<i64: 256, 32>}]} {
    %get3A = arith.constant 0 : index
    %get3A_0 = arith.constant 0 : index
    %get3A_1 = arith.constant 0 : index
    %get3A_2 = vector.load %arg1[%get3A, %get3A_0, %get3A_1] : memref<2x256x64xf32, #tpu.memory_space<vmem>>, vector<1x256x64xf32>
    %get3A_3 = vector.shape_cast %get3A_2 : vector<1x256x64xf32> to vector<256x64xf32>
    %get3A_4 = arith.constant 1 : index
    %get3A_5 = arith.constant 0 : index
    %get3A_6 = arith.constant 0 : index
    %get3A_7 = vector.load %arg1[%get3A_4, %get3A_5, %get3A_6] : memref<2x256x64xf32, #tpu.memory_space<vmem>>, vector<1x256x64xf32>
    %get3A_8 = vector.shape_cast %get3A_7 : vector<1x256x64xf32> to vector<256x64xf32>
    %add3A = arith.addf %get3A_3, %get3A_8 : vector<256x64xf32>
    %slice3A = vector.extract_strided_slice %add3A {offsets = [0, 0], sizes = [256, 32], strides = [1, 1]} : vector<256x64xf32> to vector<256x32xf32>
    %slice3A_9 = vector.extract_strided_slice %add3A {offsets = [0, 32], sizes = [256, 32], strides = [1, 1]} : vector<256x64xf32> to vector<256x32xf32>
    %add3A_10 = arith.constant 1.000000e-16 : f32
    %add3A_11 = vector.broadcast %add3A_10 : f32 to vector<256x32xf32>
    %add3A_12 = arith.addf %slice3A_9, %add3A_11 : vector<256x32xf32>
    %div3A = arith.divf %slice3A, %add3A_12 : vector<256x32xf32>
    %get3A_13 = arith.constant 0 : index
    %get3A_14 = arith.constant 0 : index
    %get3A_15 = vector.load %arg2[%get3A_13, %get3A_14] : memref<1x32xf32, #tpu.memory_space<vmem>>, vector<1x32xf32>
    %add3A_16 = vector.broadcast %get3A_15 : vector<1x32xf32> to vector<256x32xf32>
    %add3A_17 = arith.addf %div3A, %add3A_16 : vector<256x32xf32>
    %reduce_max3A = arith.constant dense<0xFF800000> : vector<256xf32>
    %reduce_max3A_18 = vector.multi_reduction <maximumf>, %add3A_17, %reduce_max3A [1] : vector<256x32xf32> to vector<256xf32>
    %broadcast_in_dim3A = vector.shape_cast %reduce_max3A_18 : vector<256xf32> to vector<256x1xf32>
    %sub3A = vector.broadcast %broadcast_in_dim3A : vector<256x1xf32> to vector<256x32xf32>
    %sub3A_19 = arith.subf %add3A_17, %sub3A : vector<256x32xf32>
    %exp3A = math.exp %sub3A_19 : vector<256x32xf32>
    %reduce_sum3A = arith.constant dense<0.000000e+00> : vector<256xf32>
    %reduce_sum3A_20 = vector.multi_reduction <add>, %exp3A, %reduce_sum3A [1] : vector<256x32xf32> to vector<256xf32>
    %broadcast_in_dim3A_21 = vector.shape_cast %reduce_sum3A_20 : vector<256xf32> to vector<256x1xf32>
    %log3A = math.log %broadcast_in_dim3A_21 : vector<256x1xf32>
    %add3A_22 = arith.addf %log3A, %broadcast_in_dim3A : vector<256x1xf32>
    %sub3A_23 = vector.broadcast %add3A_22 : vector<256x1xf32> to vector<256x32xf32>
    %sub3A_24 = arith.subf %add3A_17, %sub3A_23 : vector<256x32xf32>
    %swap3A = arith.constant 0 : index
    %swap3A_25 = arith.constant 0 : index
    %swap3A_26 = vector.load %arg3[%swap3A, %swap3A_25] : memref<256x32xf32, #tpu.memory_space<vmem>>, vector<256x32xf32>
    tpu.vector_store %arg3[%swap3A, %swap3A_25], %sub3A_24 {strides = array<i32>} : memref<256x32xf32, #tpu.memory_space<vmem>>, vector<256x32xf32>,
    return
  }
  func.func @transform_0(%arg0: i32) -> (i32, i32, i32) {
    %c0_i32 = arith.constant 0 : i32
    %c0_i32_0 = arith.constant 0 : i32
    %c0_i32_1 = arith.constant 0 : i32
    return %c0_i32, %arg0, %c0_i32_0 : i32, i32, i32
  }
  func.func @transform_1(%arg0: i32) -> (i32, i32) {
    %c0_i32 = arith.constant 0 : i32
    %c0_i32_0 = arith.constant 0 : i32
    %c0_i32_1 = arith.constant 0 : i32
    return %c0_i32, %c0_i32_0 : i32, i32
  }
  func.func @transform_2(%arg0: i32) -> (i32, i32) {
    %c0_i32 = arith.constant 0 : i32
    %c0_i32_0 = arith.constant 0 : i32
    return %arg0, %c0_i32 : i32, i32
  }
}

</mosaic_0001>

<sc_bundles>
// kernel: kernel.10.cloned.1.call-start
scs
__scs_entry_jumppad:
0x0: {  	(pc) =	sbr.rel $0x88, $3  }
0x1: {  	(tag) =	ssettag $0x0;
	lr =	simm.s32 $0x1  }
0x2: {  	[smem:$0x3F97] =	sst lr;
	_ =	strace $0xD0000000  }
0x3: {  	_ = 	snop  }
0x4: {  	_ = 	snop  }
0x5: {  	_ = 	snop  }
0x6: {  	_ = 	snop  }
0x7: {  	_ = 	snop  }
__scs_overlays_trampoline_lowered:
0x8: {  	[smem:$0x3FA6] =	sst s0  }
0x9: {  	[smem:$0x3FA7] =	sst s1  }
0xa: {  	[smem:$0x3FA8] =	sst s2  }
0xb: {  	[smem:$0x3FA9] =	sst s3  }
0xc: {  	[smem:$0x3FAA] =	sst s4  }
0xd: {  	[smem:$0x3FAB] =	sst s5  }
0xe: {  	[smem:$0x3FAC] =	sst s6  }
0xf: {  	[smem:$0x3FAD] =	sst s7  }
0x10: {  	[smem:$0x3FAE] =	sst s8  }
0x11: {  	[smem:$0x3FAF] =	sst s9;
	s0 =	simm.s32 @!p0 $0x0  }
0x12: {  	s1 =	sld [smem:$0x3F95];
	s0 =	simm.s32 @p0 $0x1  }
0x13: {  	[smem:$0x3FB0] =	sst s0;
	s0 =	simm.s32 @!p1 $0x0  }
0x14: {  	s2 =	sld [smem:$0x3F94];
	s0 =	simm.s32 @p1 $0x1  }
0x15: {  	[smem:$0x3FB1] =	sst s0;
	s0 =	simm.s32 @!p2 $0x0  }
0x16: {  	s3 =	sld [smem:$0x3FDB];
	s0 =	simm.s32 @p2 $0x1  }
0x17: {  	s4 =	simm.s32 $0x1BF5;
	[smem:$0x3FB3] =	sst s0  }
0x18: {  	s0 =	sld [smem:$0x3F96];
	_ =	swait.ge [sflag:s4], $0x0  }
0x19: {  	s7 =	sld [smem:$0x3F97]  }
0x1a: {  	s8 =	sadd.s32 $0xFFFFE003, lr  }
0x1b: {  	s9 =	sadd.s32 $0xFFFFFEF7, lr;
	s5 =	simm.s32 $0xFFFFFFFF;
	p2 =	slt.u32 s8, $0xFFFFF086  }
0x1c: {  	p1 =	slt.u32 s9, $0xF7A;
	s5 =	simm.s32 @!p2 $0x0  }
0x1d: {  	s5 =	simm.s32 @p1 $0x1;
	p0 =	seq.s32 s7, s2  }
0x1e: {  	s7 =	smul.u32 @!p0 $0xF7A, s2;
	p2 =	seq.s32 @!p0 s5, $0x0  }
0x1f: {  	s9 =	smul.u32 $0xF7A, s1;
	s8 =	simm.s32 @!p0 $0x1BF5;
	p2 =	por !p2, p0  }
0x20: {  	[sflag:s8] =	ssyncset.s32 @!p0 $0xFFFFF086;
	s6 =	sadd.s32 @!p0 s3, s7;
	s7 =	simm.s32 @!p0 $0x108  }
0x21: {  	s3 =	sadd.s32 s3, s9;
	s6 =	sadd.s32 @!p0 $0x88, s6;
	s7 =	simm.s32 @p2 $0x1082  }
0x22: {  	[simem:s7], [sflag:s8] =	dma.local @!p0 [hbm:s6], $0xF7A  }
0x23: {  	s9 =	sor.u32 $0xD0000000, s2;
	s6 =	simm.s32 $0x108;
	_ =	swait.ge @!p0 [sflag:s8], $0x0  }
0x24: {  	s3 =	sadd.s32 $0x88, s3;
	s6 =	simm.s32 @!p1 $0x1082;
	[sflag:s4] =	ssyncset.s32 $0xFFFFF086  }
0x25: {  	[simem:s6], [sflag:s4] =	dma.local [hbm:s3], $0xF7A  }
0x26: {  	[smem:$0x3F97] =	sst s1;
	(tag) =	ssettag s2;
	_ =	strace s9  }
0x27: {  	s1 =	sld [smem:$0x3FA7]  }
0x28: {  	s2 =	sld [smem:$0x3FA8]  }
0x29: {  	s4 =	sld [smem:$0x3FAA]  }
0x2a: {  	p0 =	seq.s32 s5, $0x0;
	s5 =	sld [smem:$0x3FAB]  }
0x2b: {  	s6 =	sld [smem:$0x3FAC]  }
0x2c: {  	s7 =	sld [smem:$0x3FAD]  }
0x2d: {  	s3 =	simm.s32 $0x108;
	s8 =	sld [smem:$0x3FAE]  }
0x2e: {  	s3 =	simm.s32 @!p0 $0x1082;
	s9 =	sld [smem:$0x3FAF]  }
0x2f: {  	lr =	sadd.s32 s0, s3;
	s0 =	sld [smem:$0x3FA6]  }
0x30: {  	s3 =	sld [smem:$0x3FA9]  }
0x31: {  	[smem:$0x3FB2] =	sst s10  }
0x32: {  	s10 =	sld [smem:$0x3FB0];
	_ =	sdelay $0x3  }
0x33: {  	p0 =	seq.s32 s10, $0x1;
	s10 =	sld [smem:$0x3FB2];
	_ =	sdelay $0x3  }
0x34: {  	[smem:$0x3FB2] =	sst s10  }
0x35: {  	s10 =	sld [smem:$0x3FB1];
	_ =	sdelay $0x3  }
0x36: {  	p1 =	seq.s32 s10, $0x1;
	s10 =	sld [smem:$0x3FB2];
	_ =	sdelay $0x3  }
0x37: {  	[smem:$0x3FB2] =	sst s10  }
0x38: {  	s10 =	sld [smem:$0x3FB3]  }
0x39: {  	_ = 	snop;
	(pc) =	sbr.ind lr, $3  }
0x3a: {  	_ = 	snop  }
0x3b: {  	_ = 	snop  }
0x3c: {  	p2 =	seq.s32 s10, $0x1;
	s10 =	sld [smem:$0x3FB2]  }
0x3d: {  	_ =	shalt  }
0x3e: {  	_ =	shalt  }
0x3f: {  	_ =	shalt  }
0x40: {  	_ =	shalt  }
0x41: {  	_ =	shalt  }
0x42: {  	_ =	shalt  }
0x43: {  	_ =	shalt  }
0x44: {  	_ =	shalt  }
0x45: {  	_ =	shalt  }
0x46: {  	_ =	shalt  }
0x47: {  	_ =	shalt  }
0x48: {  	_ =	shalt  }
0x49: {  	_ =	shalt  }
0x4a: {  	_ =	shalt  }
0x4b: {  	_ =	shalt  }
0x4c: {  	_ =	shalt  }
0x4d: {  	_ =	shalt  }
0x4e: {  	_ =	shalt  }
0x4f: {  	_ =	shalt  }
0x50: {  	_ =	shalt  }
0x51: {  	_ =	shalt  }
0x52: {  	_ =	shalt  }
0x53: {  	_ =	shalt  }
0x54: {  	_ =	shalt  }
0x55: {  	_ =	shalt  }
0x56: {  	_ =	shalt  }
0x57: {  	_ =	shalt  }
0x58: {  	_ =	shalt  }
0x59: {  	_ =	shalt  }
0x5a: {  	_ =	shalt  }
0x5b: {  	_ =	shalt  }
0x5c: {  	_ =	shalt  }
0x5d: {  	_ =	shalt  }
0x5e: {  	_ =	shalt  }
0x5f: {  	_ =	shalt  }
0x60: {  	_ =	shalt  }
0x61: {  	_ =	shalt  }
0x62: {  	_ =	shalt  }
0x63: {  	_ =	shalt  }
0x64: {  	_ =	shalt  }
0x65: {  	_ =	shalt  }
0x66: {  	_ =	shalt  }
0x67: {  	_ =	shalt  }
0x68: {  	_ =	shalt  }
0x69: {  	_ =	shalt  }
0x6a: {  	_ =	shalt  }
0x6b: {  	_ =	shalt  }
0x6c: {  	_ =	shalt  }
0x6d: {  	_ =	shalt  }
0x6e: {  	_ =	shalt  }
0x6f: {  	_ =	shalt  }
0x70: {  	_ =	shalt  }
0x71: {  	_ =	shalt  }
0x72: {  	_ =	shalt  }
0x73: {  	_ =	shalt  }
0x74: {  	_ =	shalt  }
0x75: {  	_ =	shalt  }
0x76: {  	_ =	shalt  }
0x77: {  	_ =	shalt  }
0x78: {  	_ =	shalt  }
0x79: {  	_ =	shalt  }
0x7a: {  	_ =	shalt  }
0x7b: {  	_ =	shalt  }
0x7c: {  	_ =	shalt  }
0x7d: {  	_ =	shalt  }
0x7e: {  	_ =	shalt  }
0x7f: {  	_ =	shalt  }
0x80: {  	_ =	shalt  }
0x81: {  	_ =	shalt  }
0x82: {  	_ =	shalt  }
0x83: {  	_ =	shalt  }
0x84: {  	_ =	shalt  }
0x85: {  	_ =	shalt  }
0x86: {  	_ =	shalt  }
0x87: {  	_ =	shalt  }
.Lfunc_end0:
.L_simem_size_0:
called_computation.1_lowered:
.L_overlay_start_0:
0x88: {  	s2 =	sld [smem:$0x3FD9]  }
0x89: {  	s3 =	sld [smem:$0x3FFE];
	_ =	sdelay $0x1  }
0x8a: {  	s1 =	srdreg.scid  }
0x8b: {  	s0 =	sand.u32 $0x1, s1  }
0x8c: {  	s16 =	sshll.u32 s0, $0xA;
	s2 =	sadd.s32 s3, s2  }
0x8d: {  	s2 =	sadd.s32 s2, s16  }
0x8e: {  	[smem:$0x3FBE] =	sst s2  }
0x8f: {  	_ = 	snop  }
0x90: {  	(tm) =	ssettm $0x1  }
0x91: {  	s17 =	sld [smem:$0x3FFB];
	_ =	sdelay $0x3  }
0x92: {  	_ =	strace s17  }
0x93: {  	s2 =	sld [smem:$0x3FFC];
	_ =	sdelay $0x3  }
0x94: {  	_ =	strace s2  }
0x95: {  	s2 =	sld [smem:$0x3FFD];
	_ =	sdelay $0x3  }
0x96: {  	_ =	strace s2  }
0x97: {  	_ =	strace $0x8FFFFFFF  }
0x98: {  	s18 =	sld [smem:$0x3FDB];
	_ =	sdelay $0x1  }
0x99: {  	s19 =	simm.s32 $_scs_section_size  }
0x9a: {  	s4 =	simm.s32 $_size__tile_overlayer_lowered;
	s5 =	simm.s32 $_tile_overlayer_lowered  }
0x9b: {  	s22 =	simm.s32 $0x1BFF;
	s21 =	sshll.u32 s5, $0x1;
	s2 =	sadd.s32 s19, s18  }
0x9c: {  	s6 =	simm.s32 $0x0;
	s20 =	sshll.u32 s4, $0x1;
	s4 =	sadd.s32 s21, s2  }
0x9d: {  	[timem:s6], [sflag:s22] =	dma.local [hbm:s4], s20  }
0x9e: {  	_ =	swait.ge [sflag:s22], s20  }
0x9f: {  	s3 =	ssub.s32 $0x0, s20;
	[sflag:s22] =	ssyncset.done $0x0  }
0xa0: {  	[sflag:s22] =	ssyncadd.s32 s3;
	_ =	sdelay $0x1  }
0xa1: {  	s23 =	simm.s32 $0x1B8B  }
0xa2: {  	_ =	swait.ge [sflag:s23], $0x1  }
0xa3: {  	[sflag:s23] =	ssyncset.done $0x0  }
0xa4: {  	s25 =	simm.s32 $0x1B8E;
	s24 =	sld [smem:$0x3FFE];
	[sflag:s23] =	ssyncadd.s32 $0xFFFFFFFF  }
0xa5: {  	s26 =	simm.s32 $execute0_lowered;
	[smem:$0x3FD2] =	sst s25  }
0xa6: {  	s4 =	sshll.u32 s26, $0x1;
	_ =	strace $0x80000049;
	[dreg:$0x1] =	wrdreg $0xFFFFFFFF  }
0xa7: {  	s28 =	simm.s32 $_size_execute0_lowered;
	s2 =	sadd.s32 s2, s4;
	[dreg:$0x0] =	wrdreg $0x0  }
0xa8: {  	s4 =	sshll.u32 s28, $0x1;
	[dreg:$0x2] =	wrdreg s2  }
0xa9: {  	[dreg:$0x3] =	wrdreg s4  }
0xaa: {  	[dreg:$0x4] =	wrdreg $0xC0  }
0xab: {  	_ =	task [dreg:s6], $0x5FFFF  }
0xac: {  	[dreg:$0x1] =	wrdreg $0xFFFFFFFF  }
0xad: {  	[dreg:$0x0] =	wrdreg $0x60  }
0xae: {  	[dreg:$0x2] =	wrdreg s24  }
0xaf: {  	[dreg:$0x3] =	wrdreg $0x51000  }
0xb0: {  	[dreg:$0x4] =	wrdreg $0x9  }
0xb1: {  	_ =	task.clear_ibuf [dreg:s6], $0x5FFFF;
	_ =	strace $0x90000049  }
0xb2: {  	s29 =	simm.s32 $0x9;
	_ =	strace $0x8000004B  }
0xb3: {  	_ =	swait.ge [sflag:s29], $0x1  }
0xb4: {  	[sflag:s29] =	ssyncadd.s32 $0xFFFFFFFF  }
0xb5: {  	_ =	strace $0x9000004B  }
0xb6: {  	_ =	sfence  }
0xb7: {  	s30 =	sld [smem:$0x0];
	_ =	sdelay $0x2  }
0xb8: {  	s31 =	sshll.u32 s1, $0xD;
	s1 =	sshrl.u32 s1, $0x2  }
0xb9: {  	s3 =	sand.u32 $0x4000, s31;
	s1 =	sadd.s32 s1, s30  }
0xba: {  	s0 =	sor.u32 s3, s0;
	s1 =	sshll.u32 s1, $0x11  }
0xbb: {  	s0 =	sor.u32 s1, s0  }
0xbc: {  	s0 =	sadd.s32 $0x8F2B, s0  }
0xbd: {  	[sflag:s0] =	ssyncadd.remote.s32 $0x1  }
0xbe: {  	_ =	sfence.sel $0xFFFF  }
0xbf: {  	[dreg:$0x0] =	wrdreg $0xFFFFFFFF;
	(pc) =	sbr.abs _section_cstart, $3  }
0xc0: {  	[dreg:$0x1] =	wrdreg $0xFFFFFFFF  }
0xc1: {  	_ =	task.clear_ibuf [dreg:s6], $0x2FFFF;
	_ =	strace $0x9FFFFFFF  }
0xc2: {  	(tm) =	ssettm $0x7FFFFFFF  }
0xc3: {  	_ =	shalt  }
tec
execute0_lowered:
.L_overlay_start_1:
0x0: {  	(tag) =	ssettag $0x1  }
0x1: {  	s8 =	rddreg [dreg:$0x0]  }
0x2: {  	s2 =	rddreg [dreg:$0x1]  }
0x3: {  	s0 =	rddreg [dreg:$0x2];
	s3 =	simm.s32 $0x0;
	s1 =	stileid.u32  }
0x4: {  	s4 =	srdreg.scid;
	s15 =	simm.s32 $0x80;
	s16 =	simm.s32 $0x100  }
0x5: {  	s17 =	simm.s32 $0x2100;
	s18 =	simm.s32 $0x3100;
	[smem:$0x7FF] =	sst s3  }
0x6: {  	s9 =	smul.u32 $0xA000, s1;
	s10 =	sand.u32 $0x1, s4;
	s4 =	sadd.s32 $0xBE00, s8  }
0x7: {  	s5 =	sadd.s32 $0x1C00, s8;
	s6 =	sadd.s32 $0x16000, s8;
	s7 =	sadd.s32 $0x2A000, s8  }
0x8: {  	s31 =	sshll.u32 s1, $0x6;
	_ =	strace $0x8000004A;
	s11 =	smul.u32 $0xA0000, s10  }
0x9: {  	s12 =	ssub.s32 $0x2, s10;
	s30 =	sshll.u32 s10, $0x4;
	s13 =	sshrl.u32 s9, $0x3  }
0xa: {  	s14 =	sshrl.u32 s12, $0x1;
	s29 =	sadd.s32 s9, s2;
	s10 =	sor.u32 s1, s30  }
0xb: {  	s11 =	sadd.s32 s9, s11;
	s13 =	sadd.s32 s13, s8;
	s12 =	ssub.s32 s12, s14  }
0xc: {  	s9 =	sor.u32 $0x1C01, s31;
	s10 =	smul.u32 $0x2880, s10;
	s11 =	sshrl.u32 s11, $0x3  }
0xd: {  	s14 =	simm.s32 $0x1;
	s12 =	smax.u32 s12, $0x1;
	s11 =	sadd.s32 s11, s8  }
0xe: {  	s8 =	sadd.s32 $0x34000, s13;
	s13 =	sshrl.u32 s29, $0x3;
	s11 =	sadd.s32 $0x48000, s11  }
.LBB2_1:
0xf: {  	[spmem:s13], [sflag:s9] =	dma.local [hbm:s8], $0x1400  }
0x10: {  	_ =	swait.ge [sflag:s14], $0x1400  }
0x11: {  	[sflag:s14] =	ssyncset.done $0x0  }
0x12: {  	[sflag:s14] =	ssyncadd.s32 $0xFFFFEC00  }
0x13: {  	s19 =	simm.s32 $0x0;
	[bflag:$0x0] =	sbarrier.arrive $0xFFFF  }
.LBB2_2:
0x14: {  	s20 =	sshll.u32 s19, $0x7  }
0x15: {  	s20 =	sadd.s32 s10, s20  }
0x16: {  	s20 =	sshrl.u32 s20, $0x3  }
0x17: {  	s22 =	simm.s32 $0x0;
	s21 =	sadd.s32 s4, s20  }
0x18: {  	[tilespmem:s22], [sflag:$0x1] =	stream.linear.gather [hbm4b:s21+s22], $0x80, $0x38;
	[tilespmem:$0xF100] =	vst v63  }
0x19: {  	_ =	swait.ge [sflag:s14], $0x80  }
0x1a: {  	[sflag:s14] =	ssyncset.done $0x0  }
0x1b: {  	s20 =	sadd.s32 s5, s20;
	[sflag:s14] =	ssyncadd.s32 $0xFFFFFF80  }
0x1c: {  	[tilespmem:s15], [sflag:$0x1] =	stream.linear.gather [hbm4b:s20+s22], $0x80, $0x38;
	[tilespmem:$0xF100] =	vst v63  }
0x1d: {  	_ =	swait.ge [sflag:s14], $0x80  }
0x1e: {  	[sflag:s14] =	ssyncset.done $0x0  }
0x1f: {  	[sflag:s14] =	ssyncadd.s32 $0xFFFFFF80  }
0x20: {  	[tilespmem:s16], [sflag:$0x1] =	stream.indirect.gather [hbm4b:s6+s15], $0x40, s22, s15, $0xb8;
	[tilespmem:$0xF100] =	vst v63  }
0x21: {  	_ =	swait.ge [sflag:s14], $0x2000  }
0x22: {  	[sflag:s14] =	ssyncset.done $0x0  }
0x23: {  	[sflag:s14] =	ssyncadd.s32 $0xFFFFE000  }
0x24: {  	[tilespmem:s17], [sflag:$0x1] =	stream.indirect.gather [hbm4b:s7+s15], $0x20, s15, s15, $0xb8;
	[tilespmem:$0xF100] =	vst v63  }
0x25: {  	_ =	swait.ge [sflag:s14], $0x1000  }
0x26: {  	[sflag:s14] =	ssyncset.done $0x0  }
0x27: {  	s20 =	simm.s32 $0x0;
	[sflag:s14] =	ssyncadd.s32 $0xFFFFF000  }
0x28: {  	s21 =	simm.s32 $0x2110;
	s22 =	simm.s32 $0x100;
	v0 =	vld [tilespmem:s20+$0x120]  }
.LBB2_3:
0x29: {  	p0 =	sne.s32 s22, $0x7F00;
	v1 =	vld [tilespmem:s21+$0xFFFFFFF0];
	_ =	sdelay $0x4  }
0x2a: {  	v0 =	vadd.f32 v1, v0;
	_ =	sdelay $0x1  }
0x2b: {  	v1 =	vmul.f32 $2.000000030e-01, v0;
	_ =	sdelay $0x1  }
0x2c: {  	v0 =	vmax.f32 v0, v1  }
0x2d: {  	v0 =	vmul.f32 $1.442695020e+00, v0;
	_ =	sdelay $0x1  }
0x2e: {  	(erf) = vpow2.f32 v0;
	_ =	sdelay $0x4  }
0x2f: {  	v0 =	vld [tilespmem:s20+$0x100];
	_ =	sdelay $0x3  }
0x30: {  	v1 =	vpop (erf)  }
0x31: {  	v0 =	vmul.f32 v1, v0;
	[tilespmem:s20+$0x3120] =	vst v1;
	_ =	sdelay $0x1  }
0x32: {  	[tilespmem:s20+$0x3100] =	vst v0;
	v0 =	vld [tilespmem:s20+$0x130]  }
0x33: {  	v1 =	vld [tilespmem:s21+$0x0];
	_ =	sdelay $0x4  }
0x34: {  	v0 =	vadd.f32 v1, v0;
	_ =	sdelay $0x1  }
0x35: {  	v1 =	vmul.f32 $2.000000030e-01, v0;
	_ =	sdelay $0x1  }
0x36: {  	v0 =	vmax.f32 v0, v1  }
0x37: {  	v0 =	vmul.f32 $1.442695020e+00, v0;
	_ =	sdelay $0x1  }
0x38: {  	(erf) = vpow2.f32 v0;
	_ =	sdelay $0x4  }
0x39: {  	v0 =	vld [tilespmem:s20+$0x110];
	_ =	sdelay $0x2  }
.Ltmp0:
0x3a: {  	(pc) =	sbr.rel @p0 .LBB2_3-.Ltmp0, $4  }
0x3b: {  	v1 =	vpop (erf)  }
0x3c: {  	v2 =	vmul.f32 v1, v0;
	[tilespmem:s20+$0x3130] =	vst v1  }
0x3d: {  	s23 =	sshra.s32 s22, $0x2  }
0x3e: {  	s22 =	sadd.s32 $0x100, s22;
	s21 =	sadd.s32 $0x20, s21;
	v0 =	vld [tilespmem:s23+$0x120];
	[tilespmem:s20+$0x3110] =	vst v2;
	s20 =	smov.u32 s23  }
0x3f: {  	v1 =	vld [tilespmem:s21+$0xFFFFFFF0];
	_ =	sdelay $0x4  }
0x40: {  	v0 =	vadd.f32 v1, v0;
	_ =	sdelay $0x1  }
0x41: {  	v1 =	vmul.f32 $2.000000030e-01, v0;
	_ =	sdelay $0x1  }
0x42: {  	v0 =	vmax.f32 v0, v1  }
0x43: {  	v0 =	vmul.f32 $1.442695020e+00, v0;
	_ =	sdelay $0x1  }
0x44: {  	(erf) = vpow2.f32 v0;
	_ =	sdelay $0x4  }
0x45: {  	v59 =	vld [tilespmem:s20+$0x100];
	_ =	sdelay $0x3  }
0x46: {  	v60 =	vpop (erf)  }
0x47: {  	v0 =	vmul.f32 v60, v59  }
0x48: {  	[tilespmem:s20+$0x3120] =	vst v60  }
0x49: {  	v61 =	vld [tilespmem:s20+$0x130];
	[tilespmem:s20+$0x3100] =	vst v0  }
0x4a: {  	v1 =	vld [tilespmem:s21+$0x0];
	_ =	sdelay $0x4  }
0x4b: {  	v0 =	vadd.f32 v1, v61;
	_ =	sdelay $0x1  }
0x4c: {  	v1 =	vmul.f32 $2.000000030e-01, v0;
	_ =	sdelay $0x1  }
0x4d: {  	v0 =	vmax.f32 v0, v1  }
0x4e: {  	v0 =	vmul.f32 $1.442695020e+00, v0;
	_ =	sdelay $0x1  }
0x4f: {  	(erf) = vpow2.f32 v0;
	_ =	sdelay $0x4  }
0x50: {  	v62 =	vld [tilespmem:s20+$0x110];
	_ =	sdelay $0x3  }
0x51: {  	v63 =	vpop (erf)  }
0x52: {  	s19 =	sadd.s32 $0x1, s19;
	v0 =	vmul.f32 v63, v62  }
0x53: {  	p0 =	sne.s32 s19, $0x51;
	[tilespmem:s20+$0x3130] =	vst v63  }
.Ltmp1:
0x54: {  	[tilespmem:s20+$0x3110] =	vst v0;
	(pc) =	sbr.rel @p0 .LBB2_2-.Ltmp1, $4  }
0x55: {  	[spmem:s2] =	stream.indirect.scatter.add.f32 [tilespmem:s18], [sflag:$0x1], $0x40, s15, s15, $0xb8;
	[tilespmem:$0xF100] =	vst v63  }
0x56: {  	_ =	swait.ge [sflag:s14], $0x2000  }
0x57: {  	[sflag:s14] =	ssyncset.done $0x0  }
0x58: {  	[sflag:s14] =	ssyncadd.s32 $0xFFFFE000  }
0x59: {  	s3 =	sadd.s32 $0x1, s3  }
0x5a: {  	p0 =	sne.s32 s3, s12  }
.Ltmp2:
0x5b: {  	[bflag:$0x0] =	sbarrier.arrive $0xFFFF;
	(pc) =	sbr.rel @p0 .LBB2_1-.Ltmp2, $4  }
0x5c: {  	[hbm:s11], [sflag:s9] =	dma.local [spmem:s13], $0x1400  }
0x5d: {  	_ =	swait.ge [sflag:s14], $0x1400  }
0x5e: {  	[sflag:s14] =	ssyncset.done $0x0  }
0x5f: {  	[sflag:s14] =	ssyncadd.s32 $0xFFFFEC00  }
0x60: {  	_ =	sfence.sel $0x180000  }
0x61: {  	[bflag:$0x0] =	sbarrier.arrive $0xFFFF  }
0x62: {  	p0 =	sne.s32 s1, $0x0;
	_ =	strace $0x9000004A  }
0x63: {  	s0 =	sadd.s32 @!p0 $0x100000, s0;
	[bflag:$0x2] =	sbarrier.arrive $0xFFFF  }
0x64: {  	[sflag:s0] =	ssyncadd.tile.s32 @!p0 $0x1;
	_ =	shalt  }
.Lfunc_end2:
_tile_overlayer_lowered:
.L_overlay_start_2:
0x65: {  	(tag) =	ssettag $0x2  }
0x66: {  	s0 =	rddreg [dreg:$0x0];
	s2 =	stileid.u32  }
0x67: {  	s1 =	rddreg [dreg:$0x1];
	p0 =	sne.s32 s2, $0x0  }
0x68: {  	s3 =	rddreg [dreg:$0x2];
	[bflag:$0x3] =	sbarrier.arrive $0xFFFF;
	s2 =	simm.s32 @!p0 $0x1C01  }
0x69: {  	[timem:s3], [sflag:s2] =	dma.local @!p0 [hbm:s0], s1  }
0x6a: {  	s0 =	simm.s32 @!p0 $0x1  }
0x6b: {  	_ =	swait.ge @!p0 [sflag:s0], s1  }
0x6c: {  	s1 =	ssub.s32 @!p0 $0x0, s1;
	[sflag:s0] =	ssyncset.done @!p0 $0x0  }
0x6d: {  	[sflag:s0] =	ssyncadd.s32 @!p0 s1  }
0x6e: {  	[bflag:$0x3] =	sbarrier.arrive $0xFFFF  }
0x6f: {  	_ =	shalt  }

// kernel: kernel.7.cloned.1.call-start
scs
__scs_entry_jumppad:
0x0: {  	(pc) =	sbr.rel $0x88, $3  }
0x1: {  	(tag) =	ssettag $0x0;
	lr =	simm.s32 $0x1  }
0x2: {  	[smem:$0x3F97] =	sst lr;
	_ =	strace $0xD0000000  }
0x3: {  	_ = 	snop  }
0x4: {  	_ = 	snop  }
0x5: {  	_ = 	snop  }
0x6: {  	_ = 	snop  }
0x7: {  	_ = 	snop  }
__scs_overlays_trampoline_lowered:
0x8: {  	[smem:$0x3FA6] =	sst s0  }
0x9: {  	[smem:$0x3FA7] =	sst s1  }
0xa: {  	[smem:$0x3FA8] =	sst s2  }
0xb: {  	[smem:$0x3FA9] =	sst s3  }
0xc: {  	[smem:$0x3FAA] =	sst s4  }
0xd: {  	[smem:$0x3FAB] =	sst s5  }
0xe: {  	[smem:$0x3FAC] =	sst s6  }
0xf: {  	[smem:$0x3FAD] =	sst s7  }
0x10: {  	[smem:$0x3FAE] =	sst s8  }
0x11: {  	[smem:$0x3FAF] =	sst s9;
	s0 =	simm.s32 @!p0 $0x0  }
0x12: {  	s1 =	sld [smem:$0x3F95];
	s0 =	simm.s32 @p0 $0x1  }
0x13: {  	[smem:$0x3FB0] =	sst s0;
	s0 =	simm.s32 @!p1 $0x0  }
0x14: {  	s2 =	sld [smem:$0x3F94];
	s0 =	simm.s32 @p1 $0x1  }
0x15: {  	[smem:$0x3FB1] =	sst s0;
	s0 =	simm.s32 @!p2 $0x0  }
0x16: {  	s3 =	sld [smem:$0x3FDB];
	s0 =	simm.s32 @p2 $0x1  }
0x17: {  	s4 =	simm.s32 $0x1BF5;
	[smem:$0x3FB3] =	sst s0  }
0x18: {  	s0 =	sld [smem:$0x3F96];
	_ =	swait.ge [sflag:s4], $0x0  }
0x19: {  	s7 =	sld [smem:$0x3F97]  }
0x1a: {  	s8 =	sadd.s32 $0xFFFFE003, lr  }
0x1b: {  	s9 =	sadd.s32 $0xFFFFFEF7, lr;
	s5 =	simm.s32 $0xFFFFFFFF;
	p2 =	slt.u32 s8, $0xFFFFF086  }
0x1c: {  	p1 =	slt.u32 s9, $0xF7A;
	s5 =	simm.s32 @!p2 $0x0  }
0x1d: {  	s5 =	simm.s32 @p1 $0x1;
	p0 =	seq.s32 s7, s2  }
0x1e: {  	s7 =	smul.u32 @!p0 $0xF7A, s2;
	p2 =	seq.s32 @!p0 s5, $0x0  }
0x1f: {  	s9 =	smul.u32 $0xF7A, s1;
	s8 =	simm.s32 @!p0 $0x1BF5;
	p2 =	por !p2, p0  }
0x20: {  	[sflag:s8] =	ssyncset.s32 @!p0 $0xFFFFF086;
	s6 =	sadd.s32 @!p0 s3, s7;
	s7 =	simm.s32 @!p0 $0x108  }
0x21: {  	s3 =	sadd.s32 s3, s9;
	s6 =	sadd.s32 @!p0 $0x88, s6;
	s7 =	simm.s32 @p2 $0x1082  }
0x22: {  	[simem:s7], [sflag:s8] =	dma.local @!p0 [hbm:s6], $0xF7A  }
0x23: {  	s9 =	sor.u32 $0xD0000000, s2;
	s6 =	simm.s32 $0x108;
	_ =	swait.ge @!p0 [sflag:s8], $0x0  }
0x24: {  	s3 =	sadd.s32 $0x88, s3;
	s6 =	simm.s32 @!p1 $0x1082;
	[sflag:s4] =	ssyncset.s32 $0xFFFFF086  }
0x25: {  	[simem:s6], [sflag:s4] =	dma.local [hbm:s3], $0xF7A  }
0x26: {  	[smem:$0x3F97] =	sst s1;
	(tag) =	ssettag s2;
	_ =	strace s9  }
0x27: {  	s1 =	sld [smem:$0x3FA7]  }
0x28: {  	s2 =	sld [smem:$0x3FA8]  }
0x29: {  	s4 =	sld [smem:$0x3FAA]  }
0x2a: {  	p0 =	seq.s32 s5, $0x0;
	s5 =	sld [smem:$0x3FAB]  }
0x2b: {  	s6 =	sld [smem:$0x3FAC]  }
0x2c: {  	s7 =	sld [smem:$0x3FAD]  }
0x2d: {  	s3 =	simm.s32 $0x108;
	s8 =	sld [smem:$0x3FAE]  }
0x2e: {  	s3 =	simm.s32 @!p0 $0x1082;
	s9 =	sld [smem:$0x3FAF]  }
0x2f: {  	lr =	sadd.s32 s0, s3;
	s0 =	sld [smem:$0x3FA6]  }
0x30: {  	s3 =	sld [smem:$0x3FA9]  }
0x31: {  	[smem:$0x3FB2] =	sst s10  }
0x32: {  	s10 =	sld [smem:$0x3FB0];
	_ =	sdelay $0x3  }
0x33: {  	p0 =	seq.s32 s10, $0x1;
	s10 =	sld [smem:$0x3FB2];
	_ =	sdelay $0x3  }
0x34: {  	[smem:$0x3FB2] =	sst s10  }
0x35: {  	s10 =	sld [smem:$0x3FB1];
	_ =	sdelay $0x3  }
0x36: {  	p1 =	seq.s32 s10, $0x1;
	s10 =	sld [smem:$0x3FB2];
	_ =	sdelay $0x3  }
0x37: {  	[smem:$0x3FB2] =	sst s10  }
0x38: {  	s10 =	sld [smem:$0x3FB3]  }
0x39: {  	_ = 	snop;
	(pc) =	sbr.ind lr, $3  }
0x3a: {  	_ = 	snop  }
0x3b: {  	_ = 	snop  }
0x3c: {  	p2 =	seq.s32 s10, $0x1;
	s10 =	sld [smem:$0x3FB2]  }
0x3d: {  	_ =	shalt  }
0x3e: {  	_ =	shalt  }
0x3f: {  	_ =	shalt  }
0x40: {  	_ =	shalt  }
0x41: {  	_ =	shalt  }
0x42: {  	_ =	shalt  }
0x43: {  	_ =	shalt  }
0x44: {  	_ =	shalt  }
0x45: {  	_ =	shalt  }
0x46: {  	_ =	shalt  }
0x47: {  	_ =	shalt  }
0x48: {  	_ =	shalt  }
0x49: {  	_ =	shalt  }
0x4a: {  	_ =	shalt  }
0x4b: {  	_ =	shalt  }
0x4c: {  	_ =	shalt  }
0x4d: {  	_ =	shalt  }
0x4e: {  	_ =	shalt  }
0x4f: {  	_ =	shalt  }
0x50: {  	_ =	shalt  }
0x51: {  	_ =	shalt  }
0x52: {  	_ =	shalt  }
0x53: {  	_ =	shalt  }
0x54: {  	_ =	shalt  }
0x55: {  	_ =	shalt  }
0x56: {  	_ =	shalt  }
0x57: {  	_ =	shalt  }
0x58: {  	_ =	shalt  }
0x59: {  	_ =	shalt  }
0x5a: {  	_ =	shalt  }
0x5b: {  	_ =	shalt  }
0x5c: {  	_ =	shalt  }
0x5d: {  	_ =	shalt  }
0x5e: {  	_ =	shalt  }
0x5f: {  	_ =	shalt  }
0x60: {  	_ =	shalt  }
0x61: {  	_ =	shalt  }
0x62: {  	_ =	shalt  }
0x63: {  	_ =	shalt  }
0x64: {  	_ =	shalt  }
0x65: {  	_ =	shalt  }
0x66: {  	_ =	shalt  }
0x67: {  	_ =	shalt  }
0x68: {  	_ =	shalt  }
0x69: {  	_ =	shalt  }
0x6a: {  	_ =	shalt  }
0x6b: {  	_ =	shalt  }
0x6c: {  	_ =	shalt  }
0x6d: {  	_ =	shalt  }
0x6e: {  	_ =	shalt  }
0x6f: {  	_ =	shalt  }
0x70: {  	_ =	shalt  }
0x71: {  	_ =	shalt  }
0x72: {  	_ =	shalt  }
0x73: {  	_ =	shalt  }
0x74: {  	_ =	shalt  }
0x75: {  	_ =	shalt  }
0x76: {  	_ =	shalt  }
0x77: {  	_ =	shalt  }
0x78: {  	_ =	shalt  }
0x79: {  	_ =	shalt  }
0x7a: {  	_ =	shalt  }
0x7b: {  	_ =	shalt  }
0x7c: {  	_ =	shalt  }
0x7d: {  	_ =	shalt  }
0x7e: {  	_ =	shalt  }
0x7f: {  	_ =	shalt  }
0x80: {  	_ =	shalt  }
0x81: {  	_ =	shalt  }
0x82: {  	_ =	shalt  }
0x83: {  	_ =	shalt  }
0x84: {  	_ =	shalt  }
0x85: {  	_ =	shalt  }
0x86: {  	_ =	shalt  }
0x87: {  	_ =	shalt  }
.Lfunc_end0:
.L_simem_size_0:
called_computation_lowered:
.L_overlay_start_0:
0x88: {  	s2 =	sld [smem:$0x3FD9]  }
0x89: {  	s3 =	sld [smem:$0x3FFE];
	_ =	sdelay $0x1  }
0x8a: {  	s1 =	srdreg.scid  }
0x8b: {  	s0 =	sand.u32 $0x1, s1  }
0x8c: {  	s16 =	sshll.u32 s0, $0xA;
	s2 =	sadd.s32 s3, s2  }
0x8d: {  	s2 =	sadd.s32 s2, s16  }
0x8e: {  	[smem:$0x3FBE] =	sst s2  }
0x8f: {  	_ = 	snop  }
0x90: {  	(tm) =	ssettm $0x1  }
0x91: {  	s17 =	sld [smem:$0x3FFB];
	_ =	sdelay $0x3  }
0x92: {  	_ =	strace s17  }
0x93: {  	s2 =	sld [smem:$0x3FFC];
	_ =	sdelay $0x3  }
0x94: {  	_ =	strace s2  }
0x95: {  	s2 =	sld [smem:$0x3FFD];
	_ =	sdelay $0x3  }
0x96: {  	_ =	strace s2  }
0x97: {  	_ =	strace $0x8FFFFFFF  }
0x98: {  	s18 =	sld [smem:$0x3FDB];
	_ =	sdelay $0x1  }
0x99: {  	s19 =	simm.s32 $_scs_section_size  }
0x9a: {  	s4 =	simm.s32 $_size__tile_overlayer_lowered;
	s5 =	simm.s32 $_tile_overlayer_lowered  }
0x9b: {  	s22 =	simm.s32 $0x1BFF;
	s21 =	sshll.u32 s5, $0x1;
	s2 =	sadd.s32 s19, s18  }
0x9c: {  	s6 =	simm.s32 $0x0;
	s20 =	sshll.u32 s4, $0x1;
	s4 =	sadd.s32 s21, s2  }
0x9d: {  	[timem:s6], [sflag:s22] =	dma.local [hbm:s4], s20  }
0x9e: {  	_ =	swait.ge [sflag:s22], s20  }
0x9f: {  	s3 =	ssub.s32 $0x0, s20;
	[sflag:s22] =	ssyncset.done $0x0  }
0xa0: {  	[sflag:s22] =	ssyncadd.s32 s3;
	_ =	sdelay $0x1  }
0xa1: {  	s23 =	simm.s32 $0x1B8B  }
0xa2: {  	_ =	swait.ge [sflag:s23], $0x1  }
0xa3: {  	[sflag:s23] =	ssyncset.done $0x0  }
0xa4: {  	s25 =	simm.s32 $0x1B8E;
	s24 =	sld [smem:$0x3FFE];
	[sflag:s23] =	ssyncadd.s32 $0xFFFFFFFF  }
0xa5: {  	s26 =	simm.s32 $execute0_lowered;
	[smem:$0x3FD2] =	sst s25  }
0xa6: {  	s4 =	sshll.u32 s26, $0x1;
	_ =	strace $0x80000046;
	[dreg:$0x1] =	wrdreg $0xFFFFFFFF  }
0xa7: {  	s28 =	simm.s32 $_size_execute0_lowered;
	s2 =	sadd.s32 s2, s4;
	[dreg:$0x0] =	wrdreg $0x0  }
0xa8: {  	s4 =	sshll.u32 s28, $0x1;
	[dreg:$0x2] =	wrdreg s2  }
0xa9: {  	[dreg:$0x3] =	wrdreg s4  }
0xaa: {  	[dreg:$0x4] =	wrdreg $0xC0  }
0xab: {  	_ =	task [dreg:s6], $0x5FFFF  }
0xac: {  	[dreg:$0x1] =	wrdreg $0xFFFFFFFF  }
0xad: {  	[dreg:$0x0] =	wrdreg $0x60  }
0xae: {  	[dreg:$0x2] =	wrdreg s24  }
0xaf: {  	[dreg:$0x3] =	wrdreg $0xA1000  }
0xb0: {  	[dreg:$0x4] =	wrdreg $0x9  }
0xb1: {  	_ =	task.clear_ibuf [dreg:s6], $0x5FFFF;
	_ =	strace $0x90000046  }
0xb2: {  	s29 =	simm.s32 $0x9;
	_ =	strace $0x80000048  }
0xb3: {  	_ =	swait.ge [sflag:s29], $0x1  }
0xb4: {  	[sflag:s29] =	ssyncadd.s32 $0xFFFFFFFF  }
0xb5: {  	_ =	strace $0x90000048  }
0xb6: {  	_ =	sfence  }
0xb7: {  	s30 =	sld [smem:$0x0];
	_ =	sdelay $0x2  }
0xb8: {  	s31 =	sshll.u32 s1, $0xD;
	s1 =	sshrl.u32 s1, $0x2  }
0xb9: {  	s3 =	sand.u32 $0x4000, s31;
	s1 =	sadd.s32 s1, s30  }
0xba: {  	s0 =	sor.u32 s3, s0;
	s1 =	sshll.u32 s1, $0x11  }
0xbb: {  	s0 =	sor.u32 s1, s0  }
0xbc: {  	s0 =	sadd.s32 $0x8F2B, s0  }
0xbd: {  	[sflag:s0] =	ssyncadd.remote.s32 $0x1  }
0xbe: {  	_ =	sfence.sel $0xFFFF  }
0xbf: {  	[dreg:$0x0] =	wrdreg $0xFFFFFFFF;
	(pc) =	sbr.abs _section_cstart, $3  }
0xc0: {  	[dreg:$0x1] =	wrdreg $0xFFFFFFFF  }
0xc1: {  	_ =	task.clear_ibuf [dreg:s6], $0x2FFFF;
	_ =	strace $0x9FFFFFFF  }
0xc2: {  	(tm) =	ssettm $0x7FFFFFFF  }
0xc3: {  	_ =	shalt  }
tec
execute0_lowered:
.L_overlay_start_1:
0x0: {  	(tag) =	ssettag $0x1  }
0x1: {  	s8 =	rddreg [dreg:$0x0]  }
0x2: {  	s2 =	rddreg [dreg:$0x1]  }
0x3: {  	s0 =	rddreg [dreg:$0x2];
	s3 =	simm.s32 $0x0;
	s1 =	stileid.u32  }
0x4: {  	s4 =	srdreg.scid;
	s15 =	simm.s32 $0x80;
	s16 =	simm.s32 $0x100  }
0x5: {  	s17 =	simm.s32 $0x4100;
	s18 =	simm.s32 $0x6100;
	[smem:$0x7FF] =	sst s3  }
0x6: {  	s9 =	smul.u32 $0x14000, s1;
	s10 =	sand.u32 $0x1, s4;
	s4 =	sadd.s32 $0xBE00, s8  }
0x7: {  	s5 =	sadd.s32 $0x1C00, s8;
	s6 =	sadd.s32 $0x16000, s8;
	s7 =	sadd.s32 $0x3E000, s8  }
0x8: {  	s31 =	sshll.u32 s1, $0x6;
	_ =	strace $0x80000047;
	s11 =	smul.u32 $0x140000, s10  }
0x9: {  	s12 =	ssub.s32 $0x2, s10;
	s30 =	sshll.u32 s10, $0x4;
	s13 =	sshrl.u32 s9, $0x3  }
0xa: {  	s14 =	sshrl.u32 s12, $0x1;
	s29 =	sadd.s32 s9, s2;
	s10 =	sor.u32 s1, s30  }
0xb: {  	s11 =	sadd.s32 s9, s11;
	s13 =	sadd.s32 s13, s8;
	s12 =	ssub.s32 s12, s14  }
0xc: {  	s9 =	sor.u32 $0x1C01, s31;
	s10 =	smul.u32 $0x2880, s10;
	s11 =	sshrl.u32 s11, $0x3  }
0xd: {  	s14 =	simm.s32 $0x1;
	s12 =	smax.u32 s12, $0x1;
	s11 =	sadd.s32 s11, s8  }
0xe: {  	s8 =	sadd.s32 $0x52000, s13;
	s13 =	sshrl.u32 s29, $0x3;
	s11 =	sadd.s32 $0x7A000, s11  }
.LBB2_1:
0xf: {  	[spmem:s13], [sflag:s9] =	dma.local [hbm:s8], $0x2800  }
0x10: {  	_ =	swait.ge [sflag:s14], $0x2800  }
0x11: {  	[sflag:s14] =	ssyncset.done $0x0  }
0x12: {  	[sflag:s14] =	ssyncadd.s32 $0xFFFFD800  }
0x13: {  	s19 =	simm.s32 $0x0;
	[bflag:$0x0] =	sbarrier.arrive $0xFFFF  }
.LBB2_2:
0x14: {  	s20 =	sshll.u32 s19, $0x7  }
0x15: {  	s20 =	sadd.s32 s10, s20  }
0x16: {  	s20 =	sshrl.u32 s20, $0x3  }
0x17: {  	s22 =	simm.s32 $0x0;
	s21 =	sadd.s32 s4, s20  }
0x18: {  	[tilespmem:s22], [sflag:$0x1] =	stream.linear.gather [hbm4b:s21+s22], $0x80, $0x38;
	[tilespmem:$0x1E100] =	vst v63  }
0x19: {  	_ =	swait.ge [sflag:s14], $0x80  }
0x1a: {  	[sflag:s14] =	ssyncset.done $0x0  }
0x1b: {  	s20 =	sadd.s32 s5, s20;
	[sflag:s14] =	ssyncadd.s32 $0xFFFFFF80  }
0x1c: {  	[tilespmem:s15], [sflag:$0x1] =	stream.linear.gather [hbm4b:s20+s22], $0x80, $0x38;
	[tilespmem:$0x1E100] =	vst v63  }
0x1d: {  	_ =	swait.ge [sflag:s14], $0x80  }
0x1e: {  	[sflag:s14] =	ssyncset.done $0x0  }
0x1f: {  	[sflag:s14] =	ssyncadd.s32 $0xFFFFFF80  }
0x20: {  	[tilespmem:s16], [sflag:$0x1] =	stream.indirect.gather [hbm4b:s6+s15], $0x80, s22, s15, $0xb8;
	[tilespmem:$0x1E100] =	vst v63  }
0x21: {  	_ =	swait.ge [sflag:s14], $0x4000  }
0x22: {  	[sflag:s14] =	ssyncset.done $0x0  }
0x23: {  	[sflag:s14] =	ssyncadd.s32 $0xFFFFC000  }
0x24: {  	[tilespmem:s17], [sflag:$0x1] =	stream.indirect.gather [hbm4b:s7+s15], $0x40, s15, s15, $0xb8;
	[tilespmem:$0x1E100] =	vst v63  }
0x25: {  	_ =	swait.ge [sflag:s14], $0x2000  }
0x26: {  	[sflag:s14] =	ssyncset.done $0x0  }
0x27: {  	s20 =	simm.s32 $0x0;
	[sflag:s14] =	ssyncadd.s32 $0xFFFFE000  }
0x28: {  	s21 =	simm.s32 $0x4120;
	s22 =	simm.s32 $0x200;
	v0 =	vld [tilespmem:s20+$0x140]  }
.LBB2_3:
0x29: {  	p0 =	sne.s32 s22, $0xFE00;
	v1 =	vld [tilespmem:s21+$0xFFFFFFE0];
	_ =	sdelay $0x4  }
0x2a: {  	v0 =	vadd.f32 v1, v0;
	_ =	sdelay $0x1  }
0x2b: {  	v1 =	vmul.f32 $2.000000030e-01, v0;
	_ =	sdelay $0x1  }
0x2c: {  	v0 =	vmax.f32 v0, v1  }
0x2d: {  	v0 =	vmul.f32 $1.442695020e+00, v0;
	_ =	sdelay $0x1  }
0x2e: {  	(erf) = vpow2.f32 v0;
	_ =	sdelay $0x4  }
0x2f: {  	v0 =	vld [tilespmem:s20+$0x100];
	_ =	sdelay $0x3  }
0x30: {  	v1 =	vpop (erf)  }
0x31: {  	v0 =	vmul.f32 v1, v0;
	[tilespmem:s20+$0x6140] =	vst v1;
	_ =	sdelay $0x1  }
0x32: {  	[tilespmem:s20+$0x6100] =	vst v0;
	v0 =	vld [tilespmem:s20+$0x150]  }
0x33: {  	v1 =	vld [tilespmem:s21+$0xFFFFFFF0];
	_ =	sdelay $0x4  }
0x34: {  	v0 =	vadd.f32 v1, v0;
	_ =	sdelay $0x1  }
0x35: {  	v1 =	vmul.f32 $2.000000030e-01, v0;
	_ =	sdelay $0x1  }
0x36: {  	v0 =	vmax.f32 v0, v1  }
0x37: {  	v0 =	vmul.f32 $1.442695020e+00, v0;
	_ =	sdelay $0x1  }
0x38: {  	(erf) = vpow2.f32 v0;
	_ =	sdelay $0x4  }
0x39: {  	v0 =	vld [tilespmem:s20+$0x110];
	_ =	sdelay $0x3  }
0x3a: {  	v1 =	vpop (erf)  }
0x3b: {  	v0 =	vmul.f32 v1, v0;
	[tilespmem:s20+$0x6150] =	vst v1;
	_ =	sdelay $0x1  }
0x3c: {  	[tilespmem:s20+$0x6110] =	vst v0;
	v0 =	vld [tilespmem:s20+$0x160]  }
0x3d: {  	v1 =	vld [tilespmem:s21+$0x0];
	_ =	sdelay $0x4  }
0x3e: {  	v0 =	vadd.f32 v1, v0;
	_ =	sdelay $0x1  }
0x3f: {  	v1 =	vmul.f32 $2.000000030e-01, v0;
	_ =	sdelay $0x1  }
0x40: {  	v0 =	vmax.f32 v0, v1  }
0x41: {  	v0 =	vmul.f32 $1.442695020e+00, v0;
	_ =	sdelay $0x1  }
0x42: {  	(erf) = vpow2.f32 v0;
	_ =	sdelay $0x4  }
0x43: {  	v0 =	vld [tilespmem:s20+$0x120];
	_ =	sdelay $0x3  }
0x44: {  	v1 =	vpop (erf)  }
0x45: {  	v0 =	vmul.f32 v1, v0;
	[tilespmem:s20+$0x6160] =	vst v1;
	_ =	sdelay $0x1  }
0x46: {  	[tilespmem:s20+$0x6120] =	vst v0;
	v0 =	vld [tilespmem:s20+$0x170]  }
0x47: {  	v1 =	vld [tilespmem:s21+$0x10];
	_ =	sdelay $0x4  }
0x48: {  	v0 =	vadd.f32 v1, v0;
	_ =	sdelay $0x1  }
0x49: {  	v1 =	vmul.f32 $2.000000030e-01, v0;
	_ =	sdelay $0x1  }
0x4a: {  	v0 =	vmax.f32 v0, v1  }
0x4b: {  	v0 =	vmul.f32 $1.442695020e+00, v0;
	_ =	sdelay $0x1  }
0x4c: {  	(erf) = vpow2.f32 v0;
	_ =	sdelay $0x4  }
0x4d: {  	v0 =	vld [tilespmem:s20+$0x130];
	_ =	sdelay $0x2  }
.Ltmp0:
0x4e: {  	(pc) =	sbr.rel @p0 .LBB2_3-.Ltmp0, $4  }
0x4f: {  	v1 =	vpop (erf)  }
0x50: {  	v2 =	vmul.f32 v1, v0;
	[tilespmem:s20+$0x6170] =	vst v1  }
0x51: {  	s23 =	sshra.s32 s22, $0x2  }
0x52: {  	s22 =	sadd.s32 $0x200, s22;
	s21 =	sadd.s32 $0x40, s21;
	v0 =	vld [tilespmem:s23+$0x140];
	[tilespmem:s20+$0x6130] =	vst v2;
	s20 =	smov.u32 s23  }
0x53: {  	v1 =	vld [tilespmem:s21+$0xFFFFFFE0];
	_ =	sdelay $0x4  }
0x54: {  	v0 =	vadd.f32 v1, v0;
	_ =	sdelay $0x1  }
0x55: {  	v1 =	vmul.f32 $2.000000030e-01, v0;
	_ =	sdelay $0x1  }
0x56: {  	v0 =	vmax.f32 v0, v1  }
0x57: {  	v0 =	vmul.f32 $1.442695020e+00, v0;
	_ =	sdelay $0x1  }
0x58: {  	(erf) = vpow2.f32 v0;
	_ =	sdelay $0x4  }
0x59: {  	v53 =	vld [tilespmem:s20+$0x100];
	_ =	sdelay $0x3  }
0x5a: {  	v54 =	vpop (erf)  }
0x5b: {  	v0 =	vmul.f32 v54, v53  }
0x5c: {  	[tilespmem:s20+$0x6140] =	vst v54  }
0x5d: {  	v55 =	vld [tilespmem:s20+$0x150];
	[tilespmem:s20+$0x6100] =	vst v0  }
0x5e: {  	v1 =	vld [tilespmem:s21+$0xFFFFFFF0];
	_ =	sdelay $0x4  }
0x5f: {  	v0 =	vadd.f32 v1, v55;
	_ =	sdelay $0x1  }
0x60: {  	v1 =	vmul.f32 $2.000000030e-01, v0;
	_ =	sdelay $0x1  }
0x61: {  	v0 =	vmax.f32 v0, v1  }
0x62: {  	v0 =	vmul.f32 $1.442695020e+00, v0;
	_ =	sdelay $0x1  }
0x63: {  	(erf) = vpow2.f32 v0;
	_ =	sdelay $0x4  }
0x64: {  	v56 =	vld [tilespmem:s20+$0x110];
	_ =	sdelay $0x3  }
0x65: {  	v57 =	vpop (erf)  }
0x66: {  	v0 =	vmul.f32 v57, v56  }
0x67: {  	[tilespmem:s20+$0x6150] =	vst v57  }
0x68: {  	v58 =	vld [tilespmem:s20+$0x160];
	[tilespmem:s20+$0x6110] =	vst v0  }
0x69: {  	v1 =	vld [tilespmem:s21+$0x0];
	_ =	sdelay $0x4  }
0x6a: {  	v0 =	vadd.f32 v1, v58;
	_ =	sdelay $0x1  }
0x6b: {  	v1 =	vmul.f32 $2.000000030e-01, v0;
	_ =	sdelay $0x1  }
0x6c: {  	v0 =	vmax.f32 v0, v1  }
0x6d: {  	v0 =	vmul.f32 $1.442695020e+00, v0;
	_ =	sdelay $0x1  }
0x6e: {  	(erf) = vpow2.f32 v0;
	_ =	sdelay $0x4  }
0x6f: {  	v59 =	vld [tilespmem:s20+$0x120];
	_ =	sdelay $0x3  }
0x70: {  	v60 =	vpop (erf)  }
0x71: {  	v0 =	vmul.f32 v60, v59  }
0x72: {  	[tilespmem:s20+$0x6160] =	vst v60  }
0x73: {  	v61 =	vld [tilespmem:s20+$0x170];
	[tilespmem:s20+$0x6120] =	vst v0  }
0x74: {  	v1 =	vld [tilespmem:s21+$0x10];
	_ =	sdelay $0x4  }
0x75: {  	v0 =	vadd.f32 v1, v61;
	_ =	sdelay $0x1  }
0x76: {  	v1 =	vmul.f32 $2.000000030e-01, v0;
	_ =	sdelay $0x1  }
0x77: {  	v0 =	vmax.f32 v0, v1  }
0x78: {  	v0 =	vmul.f32 $1.442695020e+00, v0;
	_ =	sdelay $0x1  }
0x79: {  	(erf) = vpow2.f32 v0;
	_ =	sdelay $0x4  }
0x7a: {  	v62 =	vld [tilespmem:s20+$0x130];
	_ =	sdelay $0x3  }
0x7b: {  	v63 =	vpop (erf)  }
0x7c: {  	s19 =	sadd.s32 $0x1, s19;
	v0 =	vmul.f32 v63, v62  }
0x7d: {  	p0 =	sne.s32 s19, $0x51;
	[tilespmem:s20+$0x6170] =	vst v63  }
.Ltmp1:
0x7e: {  	[tilespmem:s20+$0x6130] =	vst v0;
	(pc) =	sbr.rel @p0 .LBB2_2-.Ltmp1, $4  }
0x7f: {  	[spmem:s2] =	stream.indirect.scatter.add.f32 [tilespmem:s18], [sflag:$0x1], $0x80, s15, s15, $0xb8;
	[tilespmem:$0x1E100] =	vst v63  }
0x80: {  	_ =	swait.ge [sflag:s14], $0x4000  }
0x81: {  	[sflag:s14] =	ssyncset.done $0x0  }
0x82: {  	[sflag:s14] =	ssyncadd.s32 $0xFFFFC000  }
0x83: {  	s3 =	sadd.s32 $0x1, s3  }
0x84: {  	p0 =	sne.s32 s3, s12  }
.Ltmp2:
0x85: {  	[bflag:$0x0] =	sbarrier.arrive $0xFFFF;
	(pc) =	sbr.rel @p0 .LBB2_1-.Ltmp2, $4  }
0x86: {  	[hbm:s11], [sflag:s9] =	dma.local [spmem:s13], $0x2800  }
0x87: {  	_ =	swait.ge [sflag:s14], $0x2800  }
0x88: {  	[sflag:s14] =	ssyncset.done $0x0  }
0x89: {  	[sflag:s14] =	ssyncadd.s32 $0xFFFFD800  }
0x8a: {  	_ =	sfence.sel $0x180000  }
0x8b: {  	[bflag:$0x0] =	sbarrier.arrive $0xFFFF  }
0x8c: {  	p0 =	sne.s32 s1, $0x0;
	_ =	strace $0x90000047  }
0x8d: {  	s0 =	sadd.s32 @!p0 $0x100000, s0;
	[bflag:$0x2] =	sbarrier.arrive $0xFFFF  }
0x8e: {  	[sflag:s0] =	ssyncadd.tile.s32 @!p0 $0x1;
	_ =	shalt  }
.Lfunc_end2:
_tile_overlayer_lowered:
.L_overlay_start_2:
0x8f: {  	(tag) =	ssettag $0x2  }
0x90: {  	s0 =	rddreg [dreg:$0x0];
	s2 =	stileid.u32  }
0x91: {  	s1 =	rddreg [dreg:$0x1];
	p0 =	sne.s32 s2, $0x0  }
0x92: {  	s3 =	rddreg [dreg:$0x2];
	[bflag:$0x3] =	sbarrier.arrive $0xFFFF;
	s2 =	simm.s32 @!p0 $0x1C01  }
0x93: {  	[timem:s3], [sflag:s2] =	dma.local @!p0 [hbm:s0], s1  }
0x94: {  	s0 =	simm.s32 @!p0 $0x1  }
0x95: {  	_ =	swait.ge @!p0 [sflag:s0], s1  }
0x96: {  	s1 =	ssub.s32 @!p0 $0x0, s1;
	[sflag:s0] =	ssyncset.done @!p0 $0x0  }
0x97: {  	[sflag:s0] =	ssyncadd.s32 @!p0 s1  }
0x98: {  	[bflag:$0x3] =	sbarrier.arrive $0xFFFF  }
0x99: {  	_ =	shalt  }

</sc_bundles>
